<compile_context>
chip_gen: v7x
topology: tpu7x:2x2x1
jax: 0.10.2.dev20260603
libtpu: 0.0.44.dev20260713+nightly
codegen_flags: <defaults>
</compile_context>

<pallas_src>
import functools

import jax
import jax.numpy as jnp
from jax import lax
from jax.experimental import pallas as pl
from jax.experimental.pallas import tpu as pltpu
from jax.experimental.pallas import tpu_sc as plsc

DIM = 64
BATCH = 16384
WEIGHT_DECAY = 0.0001
LANES = 16
CHUNK = 128
ROW = 128


def _make_sc_kernel(num_cores, num_subcores):
    nw = num_cores * num_subcores
    bpw = BATCH // nw
    n_chunks = bpw // CHUNK

    mesh = plsc.VectorSubcoreMesh(core_axis_name="c", subcore_axis_name="s")

    @functools.partial(
        pl.kernel,
        mesh=mesh,
        out_type=(
            jax.ShapeDtypeStruct((BATCH * LANES,), jnp.float32),
            jax.ShapeDtypeStruct((nw * LANES,), jnp.float32),
        ),
        scratch_types=[
            pltpu.VMEM((bpw,), jnp.int32),
            pltpu.VMEM((bpw,), jnp.int32),
            pltpu.VMEM((bpw,), jnp.int32),
            pltpu.VMEM((2, CHUNK, ROW), jnp.float32),
            pltpu.VMEM((2, CHUNK, ROW), jnp.float32),
            pltpu.VMEM((2, CHUNK, ROW), jnp.float32),
            pltpu.VMEM((bpw * LANES,), jnp.float32),
            pltpu.VMEM((LANES,), jnp.float32),
            pltpu.SemaphoreType.DMA,
        ],
    )
    def sc_kernel(u_hbm, i_hbm, j_hbm, w2_hbm, h2_hbm, x_hbm, ssq_hbm,
                  ux, ix, jx, ub, ib, jb, xv, sqv, sem):
        wid = lax.axis_index("s") * num_cores + lax.axis_index("c")
        base = wid * bpw

        pltpu.sync_copy(u_hbm.at[pl.ds(base, bpw)], ux)
        pltpu.sync_copy(i_hbm.at[pl.ds(base, bpw)], ix)
        pltpu.sync_copy(j_hbm.at[pl.ds(base, bpw)], jx)

        def fire(c):
            b = c % 2
            sl = pl.ds(c * CHUNK, CHUNK)
            pltpu.async_copy(w2_hbm.at[ux.at[sl]], ub.at[b], sem)
            pltpu.async_copy(h2_hbm.at[ix.at[sl]], ib.at[b], sem)
            pltpu.async_copy(h2_hbm.at[jx.at[sl]], jb.at[b], sem)

        def drain():
            pltpu.make_async_copy(w2_hbm.at[pl.ds(0, CHUNK)], ub.at[0], sem).wait()
            pltpu.make_async_copy(h2_hbm.at[pl.ds(0, CHUNK)], ib.at[0], sem).wait()
            pltpu.make_async_copy(h2_hbm.at[pl.ds(0, CHUNK)], jb.at[0], sem).wait()

        fire(0)
        zero = jnp.zeros((LANES,), jnp.float32)
        sq = zero
        for c in range(n_chunks):
            b = c % 2
            drain()
            if c + 1 < n_chunks:
                fire(c + 1)

            def body(s, sq):
                ur = ub.at[b, s]
                ir = ib.at[b, s]
                jr = jb.at[b, s]
                acc = zero
                for k in range(DIM // LANES):
                    uv = ur[pl.ds(k * LANES, LANES)]
                    iv = ir[pl.ds(k * LANES, LANES)]
                    jv = jr[pl.ds(k * LANES, LANES)]
                    acc = acc + uv * (iv - jv)
                    sq = sq + uv * uv + iv * iv + jv * jv
                xv[pl.ds((c * CHUNK + s) * LANES, LANES)] = acc
                return sq

            sq = lax.fori_loop(0, CHUNK, body, sq)

        sqv[...] = sq
        pltpu.sync_copy(xv, x_hbm.at[pl.ds(base * LANES, bpw * LANES)])
        pltpu.sync_copy(sqv, ssq_hbm.at[pl.ds(wid * LANES, LANES)])

    return sc_kernel


def _tc_reduce(x_ref, ssq_ref, o_ref):
    x = x_ref[...]
    lane = lax.broadcasted_iota(jnp.int32, (128, 8), 0)
    grp = lax.broadcasted_iota(jnp.int32, (128, 8), 1)
    sel = jnp.where(lane // LANES == grp, 1.0, 0.0).astype(jnp.float32)
    xs = jax.lax.dot_general(x, sel, (((1,), (0,)), ((), ())),
                             preferred_element_type=jnp.float32)
    ls = jnp.minimum(xs, 0.0) - jnp.log1p(jnp.exp(-jnp.abs(xs)))
    o_ref[0, 0] = -jnp.sum(ls) + WEIGHT_DECAY * jnp.sum(ssq_ref[...])


def kernel(u, i, j, W, H):
    info = plsc.get_sparse_core_info()
    sc_fn = _make_sc_kernel(info.num_cores, info.num_subcores)

    x, ssq = sc_fn(
        u.astype(jnp.int32),
        i.astype(jnp.int32),
        j.astype(jnp.int32),
        jnp.pad(W, ((0, 0), (0, ROW - DIM))),
        jnp.pad(H, ((0, 0), (0, ROW - DIM))),
    )

    loss = pl.pallas_call(
        _tc_reduce,
        out_shape=jax.ShapeDtypeStruct((1, 1), jnp.float32),
        out_specs=pl.BlockSpec(memory_space=pltpu.SMEM),
    )(x.reshape(BATCH * LANES // 128, 128), ssq.reshape(-1, 128))
    return loss[0, 0]

# --- scband reference (transcript-rebuilt; emitter-appended) ---
"""Pipeline reference for scband-bpr-42511586296045 (READ-ONLY COPY).

The authoritative reference and input builder live on the scoring server;
editing this copy changes nothing except your own understanding.
"""

import jax, jax.numpy as jnp
import numpy as np

USER_SIZE = 1000000
ITEM_SIZE = 1000000
DIM = 64
BATCH = 16384
WEIGHT_DECAY = 0.0001


def setup_inputs(seed: int = 0) -> dict:
    key = jax.random.key(seed)
    k1, k2, k3, k4, k5 = jax.random.split(key, 5)
    u = jax.random.randint(k1, (BATCH,), 0, USER_SIZE)
    i = jax.random.randint(k2, (BATCH,), 0, ITEM_SIZE)
    j = jax.random.randint(k3, (BATCH,), 0, ITEM_SIZE)
    # xavier_normal: std = sqrt(2 / (fan_in + fan_out))
    std_w = float(np.sqrt(2.0 / (USER_SIZE + DIM)))
    std_h = float(np.sqrt(2.0 / (ITEM_SIZE + DIM)))
    W = jax.random.normal(k4, (USER_SIZE, DIM), dtype=jnp.float32) * std_w
    H = jax.random.normal(k5, (ITEM_SIZE, DIM), dtype=jnp.float32) * std_h
    return {"u": u, "i": i, "j": j, "W": W, "H": H}


def reference(u, i, j, W, H):
    u_emb = jnp.take(W, u, axis=0)
    i_emb = jnp.take(H, i, axis=0)
    j_emb = jnp.take(H, j, axis=0)
    x_ui = jnp.sum(u_emb * i_emb, axis=1)
    x_uj = jnp.sum(u_emb * j_emb, axis=1)
    x_uij = x_ui - x_uj
    log_prob = jnp.sum(jax.nn.log_sigmoid(x_uij))
    regularization = WEIGHT_DECAY * (
        jnp.sum(jnp.square(u_emb))
        + jnp.sum(jnp.square(i_emb))
        + jnp.sum(jnp.square(j_emb))
    )
    return -log_prob + regularization

if __name__ == "__main__":
    import jax
    _d = setup_inputs()
    print(jax.jit(kernel)(*tuple(_d.values())))

</pallas_src>

<mosaic_0001>
#map = affine_map<(d0, d1) -> (0)>
#map1 = affine_map<(d0, d1) -> (0, 0)>
module attributes {stable_mosaic.version = 14 : i64} {
  func.func @sc_kernel(%arg0: i32, %arg1: i32, %arg2: memref<16384xi32, #tpu.memory_space<hbm>>, %arg3: memref<16384xi32, #tpu.memory_space<hbm>>, %arg4: memref<16384xi32, #tpu.memory_space<hbm>>, %arg5: memref<1000000x128xf32, #tpu.memory_space<hbm>>, %arg6: memref<1000000x128xf32, #tpu.memory_space<hbm>>, %arg7: memref<262144xf32, #tpu.memory_space<hbm>>, %arg8: memref<512xf32, #tpu.memory_space<hbm>>, %arg9: memref<512xi32, #tpu.memory_space<vmem>>, %arg10: memref<512xi32, #tpu.memory_space<vmem>>, %arg11: memref<512xi32, #tpu.memory_space<vmem>>, %arg12: memref<2x128x128xf32, #tpu.memory_space<vmem>>, %arg13: memref<2x128x128xf32, #tpu.memory_space<vmem>>, %arg14: memref<2x128x128xf32, #tpu.memory_space<vmem>>, %arg15: memref<8192xf32, #tpu.memory_space<vmem>>, %arg16: memref<16xf32, #tpu.memory_space<vmem>>, %arg17: memref<!tpu.dma_semaphore, #tpu.memory_space<semaphore_mem>>) attributes {dimension_semantics = [#tpu.dimension_semantics<core_parallel>, #tpu.dimension_semantics<subcore_parallel>], iteration_bounds = array<i64: 2, 16>, scalar_prefetch = 0 : i64, scratch_operands = 9 : i64, tpu.core_type = #tpu.core_type<sc_vector_subcore>, window_params = [{transform_indices = #map}, {transform_indices = #map}, {transform_indices = #map}, {transform_indices = #map1}, {transform_indices = #map1}, {transform_indices = #map}, {transform_indices = #map}]} {
    %mul3A = arith.constant 2 : i32
    %mul3A_0 = arith.muli %arg1, %mul3A : i32
    %add3A = arith.addi %mul3A_0, %arg0 : i32
    %mul3A_1 = arith.constant 512 : i32
    %mul3A_2 = arith.muli %add3A, %mul3A_1 : i32
    "tpu.region"() ({
      %run_scoped3A = tpu.sem_alloc : memref<!tpu.dma_semaphore, #tpu.memory_space<semaphore_mem>>
      %dma_start3A_332 = tpu.memref_slice %arg2[%mul3A_2] : memref<16384xi32, #tpu.memory_space<hbm>> -> memref<512xi32, #tpu.memory_space<hbm>>
      %dma_start3A_333 = tpu.memref_slice %arg2[%mul3A_2] : memref<16384xi32, #tpu.memory_space<hbm>> -> memref<512xi32, #tpu.memory_space<hbm>>
      tpu.enqueue_dma source(%dma_start3A_333 : memref<512xi32, #tpu.memory_space<hbm>>) target(%arg9 : memref<512xi32, #tpu.memory_space<vmem>>) target_semaphore(%run_scoped3A : memref<!tpu.dma_semaphore, #tpu.memory_space<semaphore_mem>>)
      %dma_wait3A_334 = tpu.memref_slice %arg2[%mul3A_2] : memref<16384xi32, #tpu.memory_space<hbm>> -> memref<512xi32, #tpu.memory_space<hbm>>
      %dma_wait3A_335 = tpu.memref_slice %arg2[%mul3A_2] : memref<16384xi32, #tpu.memory_space<hbm>> -> memref<512xi32, #tpu.memory_space<hbm>>
      tpu.wait_dma2 semaphore(%run_scoped3A : memref<!tpu.dma_semaphore, #tpu.memory_space<semaphore_mem>>) src(%dma_wait3A_335 : memref<512xi32, #tpu.memory_space<hbm>>) dst(%arg9 : memref<512xi32, #tpu.memory_space<vmem>>)
      tpu.yield
    }) : () -> ()
    "tpu.region"() ({
      %run_scoped3A = tpu.sem_alloc : memref<!tpu.dma_semaphore, #tpu.memory_space<semaphore_mem>>
      %dma_start3A_332 = tpu.memref_slice %arg3[%mul3A_2] : memref<16384xi32, #tpu.memory_space<hbm>> -> memref<512xi32, #tpu.memory_space<hbm>>
      %dma_start3A_333 = tpu.memref_slice %arg3[%mul3A_2] : memref<16384xi32, #tpu.memory_space<hbm>> -> memref<512xi32, #tpu.memory_space<hbm>>
      tpu.enqueue_dma source(%dma_start3A_333 : memref<512xi32, #tpu.memory_space<hbm>>) target(%arg10 : memref<512xi32, #tpu.memory_space<vmem>>) target_semaphore(%run_scoped3A : memref<!tpu.dma_semaphore, #tpu.memory_space<semaphore_mem>>)
      %dma_wait3A_334 = tpu.memref_slice %arg3[%mul3A_2] : memref<16384xi32, #tpu.memory_space<hbm>> -> memref<512xi32, #tpu.memory_space<hbm>>
      %dma_wait3A_335 = tpu.memref_slice %arg3[%mul3A_2] : memref<16384xi32, #tpu.memory_space<hbm>> -> memref<512xi32, #tpu.memory_space<hbm>>
      tpu.wait_dma2 semaphore(%run_scoped3A : memref<!tpu.dma_semaphore, #tpu.memory_space<semaphore_mem>>) src(%dma_wait3A_335 : memref<512xi32, #tpu.memory_space<hbm>>) dst(%arg10 : memref<512xi32, #tpu.memory_space<vmem>>)
      tpu.yield
    }) : () -> ()
    "tpu.region"() ({
      %run_scoped3A = tpu.sem_alloc : memref<!tpu.dma_semaphore, #tpu.memory_space<semaphore_mem>>
      %dma_start3A_332 = tpu.memref_slice %arg4[%mul3A_2] : memref<16384xi32, #tpu.memory_space<hbm>> -> memref<512xi32, #tpu.memory_space<hbm>>
      %dma_start3A_333 = tpu.memref_slice %arg4[%mul3A_2] : memref<16384xi32, #tpu.memory_space<hbm>> -> memref<512xi32, #tpu.memory_space<hbm>>
      tpu.enqueue_dma source(%dma_start3A_333 : memref<512xi32, #tpu.memory_space<hbm>>) target(%arg11 : memref<512xi32, #tpu.memory_space<vmem>>) target_semaphore(%run_scoped3A : memref<!tpu.dma_semaphore, #tpu.memory_space<semaphore_mem>>)
      %dma_wait3A_334 = tpu.memref_slice %arg4[%mul3A_2] : memref<16384xi32, #tpu.memory_space<hbm>> -> memref<512xi32, #tpu.memory_space<hbm>>
      %dma_wait3A_335 = tpu.memref_slice %arg4[%mul3A_2] : memref<16384xi32, #tpu.memory_space<hbm>> -> memref<512xi32, #tpu.memory_space<hbm>>
      tpu.wait_dma2 semaphore(%run_scoped3A : memref<!tpu.dma_semaphore, #tpu.memory_space<semaphore_mem>>) src(%dma_wait3A_335 : memref<512xi32, #tpu.memory_space<hbm>>) dst(%arg11 : memref<512xi32, #tpu.memory_space<vmem>>)
      tpu.yield
    }) : () -> ()
    %dma_start3A = arith.constant 0 : i32
    %dma_start3A_3 = arith.constant 0 : i32
    %dma_start3A_4 = arith.constant 0 : i32
    %dma_start3A_5 = tpu.memref_slice %arg12[%dma_start3A, %dma_start3A_3, %dma_start3A_4] : memref<2x128x128xf32, #tpu.memory_space<vmem>> -> memref<1x128x128xf32, #tpu.memory_space<vmem>>
    %dma_start3A_6 = tpu.memref_squeeze %dma_start3A_5 : memref<1x128x128xf32, #tpu.memory_space<vmem>> -> memref<128x128xf32, #tpu.memory_space<vmem>>
    %dma_start3A_7 = arith.constant 0 : i32
    %dma_start3A_8 = tpu.memref_slice %arg9[%dma_start3A_7] : memref<512xi32, #tpu.memory_space<vmem>> -> memref<128xi32, #tpu.memory_space<vmem>>
    %dma_start3A_9 = arith.constant 0 : i32
    %dma_start3A_10 = arith.constant 0 : i32
    %dma_start3A_11 = tpu.memref_slice %arg5[%dma_start3A_9, %dma_start3A_10] : memref<1000000x128xf32, #tpu.memory_space<hbm>> -> memref<1000000x128xf32, #tpu.memory_space<hbm>>
    tpu.enqueue_indirect_dma source(%dma_start3A_11 : memref<1000000x128xf32, #tpu.memory_space<hbm>>) target(%dma_start3A_6 : memref<128x128xf32, #tpu.memory_space<vmem>>) offsets(%dma_start3A_8 : memref<128xi32, #tpu.memory_space<vmem>>) semaphore(%arg17 : memref<!tpu.dma_semaphore, #tpu.memory_space<semaphore_mem>>)
    %dma_start3A_12 = arith.constant 0 : i32
    %dma_start3A_13 = arith.constant 0 : i32
    %dma_start3A_14 = arith.constant 0 : i32
    %dma_start3A_15 = tpu.memref_slice %arg13[%dma_start3A_12, %dma_start3A_13, %dma_start3A_14] : memref<2x128x128xf32, #tpu.memory_space<vmem>> -> memref<1x128x128xf32, #tpu.memory_space<vmem>>
    %dma_start3A_16 = tpu.memref_squeeze %dma_start3A_15 : memref<1x128x128xf32, #tpu.memory_space<vmem>> -> memref<128x128xf32, #tpu.memory_space<vmem>>
    %dma_start3A_17 = arith.constant 0 : i32
    %dma_start3A_18 = tpu.memref_slice %arg10[%dma_start3A_17] : memref<512xi32, #tpu.memory_space<vmem>> -> memref<128xi32, #tpu.memory_space<vmem>>
    %dma_start3A_19 = arith.constant 0 : i32
    %dma_start3A_20 = arith.constant 0 : i32
    %dma_start3A_21 = tpu.memref_slice %arg6[%dma_start3A_19, %dma_start3A_20] : memref<1000000x128xf32, #tpu.memory_space<hbm>> -> memref<1000000x128xf32, #tpu.memory_space<hbm>>
    tpu.enqueue_indirect_dma source(%dma_start3A_21 : memref<1000000x128xf32, #tpu.memory_space<hbm>>) target(%dma_start3A_16 : memref<128x128xf32, #tpu.memory_space<vmem>>) offsets(%dma_start3A_18 : memref<128xi32, #tpu.memory_space<vmem>>) semaphore(%arg17 : memref<!tpu.dma_semaphore, #tpu.memory_space<semaphore_mem>>)
    %dma_start3A_22 = arith.constant 0 : i32
    %dma_start3A_23 = arith.constant 0 : i32
    %dma_start3A_24 = arith.constant 0 : i32
    %dma_start3A_25 = tpu.memref_slice %arg14[%dma_start3A_22, %dma_start3A_23, %dma_start3A_24] : memref<2x128x128xf32, #tpu.memory_space<vmem>> -> memref<1x128x128xf32, #tpu.memory_space<vmem>>
    %dma_start3A_26 = tpu.memref_squeeze %dma_start3A_25 : memref<1x128x128xf32, #tpu.memory_space<vmem>> -> memref<128x128xf32, #tpu.memory_space<vmem>>
    %dma_start3A_27 = arith.constant 0 : i32
    %dma_start3A_28 = tpu.memref_slice %arg11[%dma_start3A_27] : memref<512xi32, #tpu.memory_space<vmem>> -> memref<128xi32, #tpu.memory_space<vmem>>
    %dma_start3A_29 = arith.constant 0 : i32
    %dma_start3A_30 = arith.constant 0 : i32
    %dma_start3A_31 = tpu.memref_slice %arg6[%dma_start3A_29, %dma_start3A_30] : memref<1000000x128xf32, #tpu.memory_space<hbm>> -> memref<1000000x128xf32, #tpu.memory_space<hbm>>
    tpu.enqueue_indirect_dma source(%dma_start3A_31 : memref<1000000x128xf32, #tpu.memory_space<hbm>>) target(%dma_start3A_26 : memref<128x128xf32, #tpu.memory_space<vmem>>) offsets(%dma_start3A_28 : memref<128xi32, #tpu.memory_space<vmem>>) semaphore(%arg17 : memref<!tpu.dma_semaphore, #tpu.memory_space<semaphore_mem>>)
    %broadcast_in_dim3A = arith.constant 0.000000e+00 : f32
    %broadcast_in_dim3A_32 = vector.broadcast %broadcast_in_dim3A : f32 to vector<16xf32>
    %dma_wait3A = arith.constant 0 : i32
    %dma_wait3A_33 = arith.constant 0 : i32
    %dma_wait3A_34 = arith.constant 0 : i32
    %dma_wait3A_35 = tpu.memref_slice %arg12[%dma_wait3A, %dma_wait3A_33, %dma_wait3A_34] : memref<2x128x128xf32, #tpu.memory_space<vmem>> -> memref<1x128x128xf32, #tpu.memory_space<vmem>>
    %dma_wait3A_36 = tpu.memref_squeeze %dma_wait3A_35 : memref<1x128x128xf32, #tpu.memory_space<vmem>> -> memref<128x128xf32, #tpu.memory_space<vmem>>
    %dma_wait3A_37 = arith.constant 0 : i32
    %dma_wait3A_38 = arith.constant 0 : i32
    %dma_wait3A_39 = tpu.memref_slice %arg5[%dma_wait3A_37, %dma_wait3A_38] : memref<1000000x128xf32, #tpu.memory_space<hbm>> -> memref<128x128xf32, #tpu.memory_space<hbm>>
    %dma_wait3A_40 = arith.constant 0 : i32
    %dma_wait3A_41 = arith.constant 0 : i32
    %dma_wait3A_42 = tpu.memref_slice %arg12[%dma_wait3A, %dma_wait3A_40, %dma_wait3A_41] : memref<2x128x128xf32, #tpu.memory_space<vmem>> -> memref<1x128x128xf32, #tpu.memory_space<vmem>>
    %dma_wait3A_43 = tpu.memref_squeeze %dma_wait3A_42 : memref<1x128x128xf32, #tpu.memory_space<vmem>> -> memref<128x128xf32, #tpu.memory_space<vmem>>
    %dma_wait3A_44 = arith.constant 0 : i32
    %dma_wait3A_45 = arith.constant 0 : i32
    %dma_wait3A_46 = tpu.memref_slice %arg5[%dma_wait3A_44, %dma_wait3A_45] : memref<1000000x128xf32, #tpu.memory_space<hbm>> -> memref<128x128xf32, #tpu.memory_space<hbm>>
    tpu.wait_dma2 semaphore(%arg17 : memref<!tpu.dma_semaphore, #tpu.memory_space<semaphore_mem>>) src(%dma_wait3A_46 : memref<128x128xf32, #tpu.memory_space<hbm>>) dst(%dma_wait3A_43 : memref<128x128xf32, #tpu.memory_space<vmem>>)
    %dma_wait3A_47 = arith.constant 0 : i32
    %dma_wait3A_48 = arith.constant 0 : i32
    %dma_wait3A_49 = arith.constant 0 : i32
    %dma_wait3A_50 = tpu.memref_slice %arg13[%dma_wait3A_47, %dma_wait3A_48, %dma_wait3A_49] : memref<2x128x128xf32, #tpu.memory_space<vmem>> -> memref<1x128x128xf32, #tpu.memory_space<vmem>>
    %dma_wait3A_51 = tpu.memref_squeeze %dma_wait3A_50 : memref<1x128x128xf32, #tpu.memory_space<vmem>> -> memref<128x128xf32, #tpu.memory_space<vmem>>
    %dma_wait3A_52 = arith.constant 0 : i32
    %dma_wait3A_53 = arith.constant 0 : i32
    %dma_wait3A_54 = tpu.memref_slice %arg6[%dma_wait3A_52, %dma_wait3A_53] : memref<1000000x128xf32, #tpu.memory_space<hbm>> -> memref<128x128xf32, #tpu.memory_space<hbm>>
    %dma_wait3A_55 = arith.constant 0 : i32
    %dma_wait3A_56 = arith.constant 0 : i32
    %dma_wait3A_57 = tpu.memref_slice %arg13[%dma_wait3A_47, %dma_wait3A_55, %dma_wait3A_56] : memref<2x128x128xf32, #tpu.memory_space<vmem>> -> memref<1x128x128xf32, #tpu.memory_space<vmem>>
    %dma_wait3A_58 = tpu.memref_squeeze %dma_wait3A_57 : memref<1x128x128xf32, #tpu.memory_space<vmem>> -> memref<128x128xf32, #tpu.memory_space<vmem>>
    %dma_wait3A_59 = arith.constant 0 : i32
    %dma_wait3A_60 = arith.constant 0 : i32
    %dma_wait3A_61 = tpu.memref_slice %arg6[%dma_wait3A_59, %dma_wait3A_60] : memref<1000000x128xf32, #tpu.memory_space<hbm>> -> memref<128x128xf32, #tpu.memory_space<hbm>>
    tpu.wait_dma2 semaphore(%arg17 : memref<!tpu.dma_semaphore, #tpu.memory_space<semaphore_mem>>) src(%dma_wait3A_61 : memref<128x128xf32, #tpu.memory_space<hbm>>) dst(%dma_wait3A_58 : memref<128x128xf32, #tpu.memory_space<vmem>>)
    %dma_wait3A_62 = arith.constant 0 : i32
    %dma_wait3A_63 = arith.constant 0 : i32
    %dma_wait3A_64 = arith.constant 0 : i32
    %dma_wait3A_65 = tpu.memref_slice %arg14[%dma_wait3A_62, %dma_wait3A_63, %dma_wait3A_64] : memref<2x128x128xf32, #tpu.memory_space<vmem>> -> memref<1x128x128xf32, #tpu.memory_space<vmem>>
    %dma_wait3A_66 = tpu.memref_squeeze %dma_wait3A_65 : memref<1x128x128xf32, #tpu.memory_space<vmem>> -> memref<128x128xf32, #tpu.memory_space<vmem>>
    %dma_wait3A_67 = arith.constant 0 : i32
    %dma_wait3A_68 = arith.constant 0 : i32
    %dma_wait3A_69 = tpu.memref_slice %arg6[%dma_wait3A_67, %dma_wait3A_68] : memref<1000000x128xf32, #tpu.memory_space<hbm>> -> memref<128x128xf32, #tpu.memory_space<hbm>>
    %dma_wait3A_70 = arith.constant 0 : i32
    %dma_wait3A_71 = arith.constant 0 : i32
    %dma_wait3A_72 = tpu.memref_slice %arg14[%dma_wait3A_62, %dma_wait3A_70, %dma_wait3A_71] : memref<2x128x128xf32, #tpu.memory_space<vmem>> -> memref<1x128x128xf32, #tpu.memory_space<vmem>>
    %dma_wait3A_73 = tpu.memref_squeeze %dma_wait3A_72 : memref<1x128x128xf32, #tpu.memory_space<vmem>> -> memref<128x128xf32, #tpu.memory_space<vmem>>
    %dma_wait3A_74 = arith.constant 0 : i32
    %dma_wait3A_75 = arith.constant 0 : i32
    %dma_wait3A_76 = tpu.memref_slice %arg6[%dma_wait3A_74, %dma_wait3A_75] : memref<1000000x128xf32, #tpu.memory_space<hbm>> -> memref<128x128xf32, #tpu.memory_space<hbm>>
    tpu.wait_dma2 semaphore(%arg17 : memref<!tpu.dma_semaphore, #tpu.memory_space<semaphore_mem>>) src(%dma_wait3A_76 : memref<128x128xf32, #tpu.memory_space<hbm>>) dst(%dma_wait3A_73 : memref<128x128xf32, #tpu.memory_space<vmem>>)
    %dma_start3A_77 = arith.constant 1 : i32
    %dma_start3A_78 = arith.constant 0 : i32
    %dma_start3A_79 = arith.constant 0 : i32
    %dma_start3A_80 = tpu.memref_slice %arg12[%dma_start3A_77, %dma_start3A_78, %dma_start3A_79] : memref<2x128x128xf32, #tpu.memory_space<vmem>> -> memref<1x128x128xf32, #tpu.memory_space<vmem>>
    %dma_start3A_81 = tpu.memref_squeeze %dma_start3A_80 : memref<1x128x128xf32, #tpu.memory_space<vmem>> -> memref<128x128xf32, #tpu.memory_space<vmem>>
    %dma_start3A_82 = arith.constant 128 : i32
    %dma_start3A_83 = tpu.memref_slice %arg9[%dma_start3A_82] : memref<512xi32, #tpu.memory_space<vmem>> -> memref<128xi32, #tpu.memory_space<vmem>>
    %dma_start3A_84 = arith.constant 0 : i32
    %dma_start3A_85 = arith.constant 0 : i32
    %dma_start3A_86 = tpu.memref_slice %arg5[%dma_start3A_84, %dma_start3A_85] : memref<1000000x128xf32, #tpu.memory_space<hbm>> -> memref<1000000x128xf32, #tpu.memory_space<hbm>>
    tpu.enqueue_indirect_dma source(%dma_start3A_86 : memref<1000000x128xf32, #tpu.memory_space<hbm>>) target(%dma_start3A_81 : memref<128x128xf32, #tpu.memory_space<vmem>>) offsets(%dma_start3A_83 : memref<128xi32, #tpu.memory_space<vmem>>) semaphore(%arg17 : memref<!tpu.dma_semaphore, #tpu.memory_space<semaphore_mem>>)
    %dma_start3A_87 = arith.constant 1 : i32
    %dma_start3A_88 = arith.constant 0 : i32
    %dma_start3A_89 = arith.constant 0 : i32
    %dma_start3A_90 = tpu.memref_slice %arg13[%dma_start3A_87, %dma_start3A_88, %dma_start3A_89] : memref<2x128x128xf32, #tpu.memory_space<vmem>> -> memref<1x128x128xf32, #tpu.memory_space<vmem>>
    %dma_start3A_91 = tpu.memref_squeeze %dma_start3A_90 : memref<1x128x128xf32, #tpu.memory_space<vmem>> -> memref<128x128xf32, #tpu.memory_space<vmem>>
    %dma_start3A_92 = arith.constant 128 : i32
    %dma_start3A_93 = tpu.memref_slice %arg10[%dma_start3A_92] : memref<512xi32, #tpu.memory_space<vmem>> -> memref<128xi32, #tpu.memory_space<vmem>>
    %dma_start3A_94 = arith.constant 0 : i32
    %dma_start3A_95 = arith.constant 0 : i32
    %dma_start3A_96 = tpu.memref_slice %arg6[%dma_start3A_94, %dma_start3A_95] : memref<1000000x128xf32, #tpu.memory_space<hbm>> -> memref<1000000x128xf32, #tpu.memory_space<hbm>>
    tpu.enqueue_indirect_dma source(%dma_start3A_96 : memref<1000000x128xf32, #tpu.memory_space<hbm>>) target(%dma_start3A_91 : memref<128x128xf32, #tpu.memory_space<vmem>>) offsets(%dma_start3A_93 : memref<128xi32, #tpu.memory_space<vmem>>) semaphore(%arg17 : memref<!tpu.dma_semaphore, #tpu.memory_space<semaphore_mem>>)
    %dma_start3A_97 = arith.constant 1 : i32
    %dma_start3A_98 = arith.constant 0 : i32
    %dma_start3A_99 = arith.constant 0 : i32
    %dma_start3A_100 = tpu.memref_slice %arg14[%dma_start3A_97, %dma_start3A_98, %dma_start3A_99] : memref<2x128x128xf32, #tpu.memory_space<vmem>> -> memref<1x128x128xf32, #tpu.memory_space<vmem>>
    %dma_start3A_101 = tpu.memref_squeeze %dma_start3A_100 : memref<1x128x128xf32, #tpu.memory_space<vmem>> -> memref<128x128xf32, #tpu.memory_space<vmem>>
    %dma_start3A_102 = arith.constant 128 : i32
    %dma_start3A_103 = tpu.memref_slice %arg11[%dma_start3A_102] : memref<512xi32, #tpu.memory_space<vmem>> -> memref<128xi32, #tpu.memory_space<vmem>>
    %dma_start3A_104 = arith.constant 0 : i32
    %dma_start3A_105 = arith.constant 0 : i32
    %dma_start3A_106 = tpu.memref_slice %arg6[%dma_start3A_104, %dma_start3A_105] : memref<1000000x128xf32, #tpu.memory_space<hbm>> -> memref<1000000x128xf32, #tpu.memory_space<hbm>>
    tpu.enqueue_indirect_dma source(%dma_start3A_106 : memref<1000000x128xf32, #tpu.memory_space<hbm>>) target(%dma_start3A_101 : memref<128x128xf32, #tpu.memory_space<vmem>>) offsets(%dma_start3A_103 : memref<128xi32, #tpu.memory_space<vmem>>) semaphore(%arg17 : memref<!tpu.dma_semaphore, #tpu.memory_space<semaphore_mem>>)
    %scan3A = arith.constant 0 : i32
    %scan3A_107 = arith.constant 128 : i32
    %scan3A_108 = arith.addi %scan3A, %scan3A_107 : i32
    %scan3A_109 = arith.constant 1 : i32
    %scan3A_110 = scf.for %scan3A_332 = %scan3A to %scan3A_108 step %scan3A_109 iter_args(%scan3A_333 = %broadcast_in_dim3A_32) -> (vector<16xf32>)  : i32 {
      %get3A = arith.constant 0 : i32
      %get3A_334 = arith.constant 0 : i32
      %get3A_335 = tpu.memref_slice %arg12[%get3A, %scan3A_332, %get3A_334] : memref<2x128x128xf32, #tpu.memory_space<vmem>> -> memref<1x1x128xf32, #tpu.memory_space<vmem>>
      %get3A_336 = tpu.memref_squeeze %get3A_335 : memref<1x1x128xf32, #tpu.memory_space<vmem>> -> memref<128xf32, #tpu.memory_space<vmem>>
      %get3A_337 = arith.constant 0 : index
      %get3A_338 = tpu.vector_load %get3A_336[%get3A_337] {strides = array<i32>} : memref<128xf32, #tpu.memory_space<vmem>>, vector<16xf32>,
      %get3A_339 = vector.shape_cast %get3A_338 : vector<16xf32> to vector<16xf32>
      %get3A_340 = arith.constant 0 : i32
      %get3A_341 = arith.constant 0 : i32
      %get3A_342 = tpu.memref_slice %arg13[%get3A_340, %scan3A_332, %get3A_341] : memref<2x128x128xf32, #tpu.memory_space<vmem>> -> memref<1x1x128xf32, #tpu.memory_space<vmem>>
      %get3A_343 = tpu.memref_squeeze %get3A_342 : memref<1x1x128xf32, #tpu.memory_space<vmem>> -> memref<128xf32, #tpu.memory_space<vmem>>
      %get3A_344 = arith.constant 0 : index
      %get3A_345 = tpu.vector_load %get3A_343[%get3A_344] {strides = array<i32>} : memref<128xf32, #tpu.memory_space<vmem>>, vector<16xf32>,
      %get3A_346 = vector.shape_cast %get3A_345 : vector<16xf32> to vector<16xf32>
      %get3A_347 = arith.constant 0 : i32
      %get3A_348 = arith.constant 0 : i32
      %get3A_349 = tpu.memref_slice %arg14[%get3A_347, %scan3A_332, %get3A_348] : memref<2x128x128xf32, #tpu.memory_space<vmem>> -> memref<1x1x128xf32, #tpu.memory_space<vmem>>
      %get3A_350 = tpu.memref_squeeze %get3A_349 : memref<1x1x128xf32, #tpu.memory_space<vmem>> -> memref<128xf32, #tpu.memory_space<vmem>>
      %get3A_351 = arith.constant 0 : index
      %get3A_352 = tpu.vector_load %get3A_350[%get3A_351] {strides = array<i32>} : memref<128xf32, #tpu.memory_space<vmem>>, vector<16xf32>,
      %get3A_353 = vector.shape_cast %get3A_352 : vector<16xf32> to vector<16xf32>
      %sub3A = arith.subf %get3A_346, %get3A_353 : vector<16xf32>
      %mul3A_354 = arith.mulf %get3A_339, %sub3A : vector<16xf32>
      %add3A_355 = arith.addf %broadcast_in_dim3A_32, %mul3A_354 : vector<16xf32>
      %mul3A_356 = arith.mulf %get3A_339, %get3A_339 : vector<16xf32>
      %add3A_357 = arith.addf %scan3A_333, %mul3A_356 : vector<16xf32>
      %mul3A_358 = arith.mulf %get3A_346, %get3A_346 : vector<16xf32>
      %add3A_359 = arith.addf %add3A_357, %mul3A_358 : vector<16xf32>
      %mul3A_360 = arith.mulf %get3A_353, %get3A_353 : vector<16xf32>
      %add3A_361 = arith.addf %add3A_359, %mul3A_360 : vector<16xf32>
      %get3A_362 = arith.constant 0 : i32
      %get3A_363 = arith.constant 0 : i32
      %get3A_364 = tpu.memref_slice %arg12[%get3A_362, %scan3A_332, %get3A_363] : memref<2x128x128xf32, #tpu.memory_space<vmem>> -> memref<1x1x128xf32, #tpu.memory_space<vmem>>
      %get3A_365 = tpu.memref_squeeze %get3A_364 : memref<1x1x128xf32, #tpu.memory_space<vmem>> -> memref<128xf32, #tpu.memory_space<vmem>>
      %get3A_366 = arith.constant 16 : index
      %get3A_367 = tpu.vector_load %get3A_365[%get3A_366] {strides = array<i32>} : memref<128xf32, #tpu.memory_space<vmem>>, vector<16xf32>,
      %get3A_368 = vector.shape_cast %get3A_367 : vector<16xf32> to vector<16xf32>
      %get3A_369 = arith.constant 0 : i32
      %get3A_370 = arith.constant 0 : i32
      %get3A_371 = tpu.memref_slice %arg13[%get3A_369, %scan3A_332, %get3A_370] : memref<2x128x128xf32, #tpu.memory_space<vmem>> -> memref<1x1x128xf32, #tpu.memory_space<vmem>>
      %get3A_372 = tpu.memref_squeeze %get3A_371 : memref<1x1x128xf32, #tpu.memory_space<vmem>> -> memref<128xf32, #tpu.memory_space<vmem>>
      %get3A_373 = arith.constant 16 : index
      %get3A_374 = tpu.vector_load %get3A_372[%get3A_373] {strides = array<i32>} : memref<128xf32, #tpu.memory_space<vmem>>, vector<16xf32>,
      %get3A_375 = vector.shape_cast %get3A_374 : vector<16xf32> to vector<16xf32>
      %get3A_376 = arith.constant 0 : i32
      %get3A_377 = arith.constant 0 : i32
      %get3A_378 = tpu.memref_slice %arg14[%get3A_376, %scan3A_332, %get3A_377] : memref<2x128x128xf32, #tpu.memory_space<vmem>> -> memref<1x1x128xf32, #tpu.memory_space<vmem>>
      %get3A_379 = tpu.memref_squeeze %get3A_378 : memref<1x1x128xf32, #tpu.memory_space<vmem>> -> memref<128xf32, #tpu.memory_space<vmem>>
      %get3A_380 = arith.constant 16 : index
      %get3A_381 = tpu.vector_load %get3A_379[%get3A_380] {strides = array<i32>} : memref<128xf32, #tpu.memory_space<vmem>>, vector<16xf32>,
      %get3A_382 = vector.shape_cast %get3A_381 : vector<16xf32> to vector<16xf32>
      %sub3A_383 = arith.subf %get3A_375, %get3A_382 : vector<16xf32>
      %mul3A_384 = arith.mulf %get3A_368, %sub3A_383 : vector<16xf32>
      %add3A_385 = arith.addf %add3A_355, %mul3A_384 : vector<16xf32>
      %mul3A_386 = arith.mulf %get3A_368, %get3A_368 : vector<16xf32>
      %add3A_387 = arith.addf %add3A_361, %mul3A_386 : vector<16xf32>
      %mul3A_388 = arith.mulf %get3A_375, %get3A_375 : vector<16xf32>
      %add3A_389 = arith.addf %add3A_387, %mul3A_388 : vector<16xf32>
      %mul3A_390 = arith.mulf %get3A_382, %get3A_382 : vector<16xf32>
      %add3A_391 = arith.addf %add3A_389, %mul3A_390 : vector<16xf32>
      %get3A_392 = arith.constant 0 : i32
      %get3A_393 = arith.constant 0 : i32
      %get3A_394 = tpu.memref_slice %arg12[%get3A_392, %scan3A_332, %get3A_393] : memref<2x128x128xf32, #tpu.memory_space<vmem>> -> memref<1x1x128xf32, #tpu.memory_space<vmem>>
      %get3A_395 = tpu.memref_squeeze %get3A_394 : memref<1x1x128xf32, #tpu.memory_space<vmem>> -> memref<128xf32, #tpu.memory_space<vmem>>
      %get3A_396 = arith.constant 32 : index
      %get3A_397 = tpu.vector_load %get3A_395[%get3A_396] {strides = array<i32>} : memref<128xf32, #tpu.memory_space<vmem>>, vector<16xf32>,
      %get3A_398 = vector.shape_cast %get3A_397 : vector<16xf32> to vector<16xf32>
      %get3A_399 = arith.constant 0 : i32
      %get3A_400 = arith.constant 0 : i32
      %get3A_401 = tpu.memref_slice %arg13[%get3A_399, %scan3A_332, %get3A_400] : memref<2x128x128xf32, #tpu.memory_space<vmem>> -> memref<1x1x128xf32, #tpu.memory_space<vmem>>
      %get3A_402 = tpu.memref_squeeze %get3A_401 : memref<1x1x128xf32, #tpu.memory_space<vmem>> -> memref<128xf32, #tpu.memory_space<vmem>>
      %get3A_403 = arith.constant 32 : index
      %get3A_404 = tpu.vector_load %get3A_402[%get3A_403] {strides = array<i32>} : memref<128xf32, #tpu.memory_space<vmem>>, vector<16xf32>,
      %get3A_405 = vector.shape_cast %get3A_404 : vector<16xf32> to vector<16xf32>
      %get3A_406 = arith.constant 0 : i32
      %get3A_407 = arith.constant 0 : i32
      %get3A_408 = tpu.memref_slice %arg14[%get3A_406, %scan3A_332, %get3A_407] : memref<2x128x128xf32, #tpu.memory_space<vmem>> -> memref<1x1x128xf32, #tpu.memory_space<vmem>>
      %get3A_409 = tpu.memref_squeeze %get3A_408 : memref<1x1x128xf32, #tpu.memory_space<vmem>> -> memref<128xf32, #tpu.memory_space<vmem>>
      %get3A_410 = arith.constant 32 : index
      %get3A_411 = tpu.vector_load %get3A_409[%get3A_410] {strides = array<i32>} : memref<128xf32, #tpu.memory_space<vmem>>, vector<16xf32>,
      %get3A_412 = vector.shape_cast %get3A_411 : vector<16xf32> to vector<16xf32>
      %sub3A_413 = arith.subf %get3A_405, %get3A_412 : vector<16xf32>
      %mul3A_414 = arith.mulf %get3A_398, %sub3A_413 : vector<16xf32>
      %add3A_415 = arith.addf %add3A_385, %mul3A_414 : vector<16xf32>
      %mul3A_416 = arith.mulf %get3A_398, %get3A_398 : vector<16xf32>
      %add3A_417 = arith.addf %add3A_391, %mul3A_416 : vector<16xf32>
      %mul3A_418 = arith.mulf %get3A_405, %get3A_405 : vector<16xf32>
      %add3A_419 = arith.addf %add3A_417, %mul3A_418 : vector<16xf32>
      %mul3A_420 = arith.mulf %get3A_412, %get3A_412 : vector<16xf32>
      %add3A_421 = arith.addf %add3A_419, %mul3A_420 : vector<16xf32>
      %get3A_422 = arith.constant 0 : i32
      %get3A_423 = arith.constant 0 : i32
      %get3A_424 = tpu.memref_slice %arg12[%get3A_422, %scan3A_332, %get3A_423] : memref<2x128x128xf32, #tpu.memory_space<vmem>> -> memref<1x1x128xf32, #tpu.memory_space<vmem>>
      %get3A_425 = tpu.memref_squeeze %get3A_424 : memref<1x1x128xf32, #tpu.memory_space<vmem>> -> memref<128xf32, #tpu.memory_space<vmem>>
      %get3A_426 = arith.constant 48 : index
      %get3A_427 = tpu.vector_load %get3A_425[%get3A_426] {strides = array<i32>} : memref<128xf32, #tpu.memory_space<vmem>>, vector<16xf32>,
      %get3A_428 = vector.shape_cast %get3A_427 : vector<16xf32> to vector<16xf32>
      %get3A_429 = arith.constant 0 : i32
      %get3A_430 = arith.constant 0 : i32
      %get3A_431 = tpu.memref_slice %arg13[%get3A_429, %scan3A_332, %get3A_430] : memref<2x128x128xf32, #tpu.memory_space<vmem>> -> memref<1x1x128xf32, #tpu.memory_space<vmem>>
      %get3A_432 = tpu.memref_squeeze %get3A_431 : memref<1x1x128xf32, #tpu.memory_space<vmem>> -> memref<128xf32, #tpu.memory_space<vmem>>
      %get3A_433 = arith.constant 48 : index
      %get3A_434 = tpu.vector_load %get3A_432[%get3A_433] {strides = array<i32>} : memref<128xf32, #tpu.memory_space<vmem>>, vector<16xf32>,
      %get3A_435 = vector.shape_cast %get3A_434 : vector<16xf32> to vector<16xf32>
      %get3A_436 = arith.constant 0 : i32
      %get3A_437 = arith.constant 0 : i32
      %get3A_438 = tpu.memref_slice %arg14[%get3A_436, %scan3A_332, %get3A_437] : memref<2x128x128xf32, #tpu.memory_space<vmem>> -> memref<1x1x128xf32, #tpu.memory_space<vmem>>
      %get3A_439 = tpu.memref_squeeze %get3A_438 : memref<1x1x128xf32, #tpu.memory_space<vmem>> -> memref<128xf32, #tpu.memory_space<vmem>>
      %get3A_440 = arith.constant 48 : index
      %get3A_441 = tpu.vector_load %get3A_439[%get3A_440] {strides = array<i32>} : memref<128xf32, #tpu.memory_space<vmem>>, vector<16xf32>,
      %get3A_442 = vector.shape_cast %get3A_441 : vector<16xf32> to vector<16xf32>
      %sub3A_443 = arith.subf %get3A_435, %get3A_442 : vector<16xf32>
      %mul3A_444 = arith.mulf %get3A_428, %sub3A_443 : vector<16xf32>
      %add3A_445 = arith.addf %add3A_415, %mul3A_444 : vector<16xf32>
      %mul3A_446 = arith.mulf %get3A_428, %get3A_428 : vector<16xf32>
      %add3A_447 = arith.addf %add3A_421, %mul3A_446 : vector<16xf32>
      %mul3A_448 = arith.mulf %get3A_435, %get3A_435 : vector<16xf32>
      %add3A_449 = arith.addf %add3A_447, %mul3A_448 : vector<16xf32>
      %mul3A_450 = arith.mulf %get3A_442, %get3A_442 : vector<16xf32>
      %add3A_451 = arith.addf %add3A_449, %mul3A_450 : vector<16xf32>
      %add3A_452 = arith.constant 0 : i32
      %add3A_453 = arith.addi %add3A_452, %scan3A_332 : i32
      %mul3A_454 = arith.constant 16 : i32
      %mul3A_455 = arith.muli %add3A_453, %mul3A_454 : i32
      %swap3A_456 = arith.index_cast %mul3A_455 : i32 to index
      %swap3A_457 = tpu.vector_load %arg15[%swap3A_456] {strides = array<i32>} : memref<8192xf32, #tpu.memory_space<vmem>>, vector<16xf32>,
      %swap3A_458 = vector.shape_cast %swap3A_457 : vector<16xf32> to vector<16xf32>
      %swap3A_459 = vector.shape_cast %add3A_445 : vector<16xf32> to vector<16xf32>
      tpu.vector_store %arg15[%swap3A_456], %swap3A_459 {strides = array<i32>} : memref<8192xf32, #tpu.memory_space<vmem>>, vector<16xf32>,
      scf.yield %add3A_451 : vector<16xf32>
    }
    %scan3A_111 = arith.constant 128 : i32
    %dma_wait3A_112 = arith.constant 0 : i32
    %dma_wait3A_113 = arith.constant 0 : i32
    %dma_wait3A_114 = arith.constant 0 : i32
    %dma_wait3A_115 = tpu.memref_slice %arg12[%dma_wait3A_112, %dma_wait3A_113, %dma_wait3A_114] : memref<2x128x128xf32, #tpu.memory_space<vmem>> -> memref<1x128x128xf32, #tpu.memory_space<vmem>>
    %dma_wait3A_116 = tpu.memref_squeeze %dma_wait3A_115 : memref<1x128x128xf32, #tpu.memory_space<vmem>> -> memref<128x128xf32, #tpu.memory_space<vmem>>
    %dma_wait3A_117 = arith.constant 0 : i32
    %dma_wait3A_118 = arith.constant 0 : i32
    %dma_wait3A_119 = tpu.memref_slice %arg5[%dma_wait3A_117, %dma_wait3A_118] : memref<1000000x128xf32, #tpu.memory_space<hbm>> -> memref<128x128xf32, #tpu.memory_space<hbm>>
    %dma_wait3A_120 = arith.constant 0 : i32
    %dma_wait3A_121 = arith.constant 0 : i32
    %dma_wait3A_122 = tpu.memref_slice %arg12[%dma_wait3A_112, %dma_wait3A_120, %dma_wait3A_121] : memref<2x128x128xf32, #tpu.memory_space<vmem>> -> memref<1x128x128xf32, #tpu.memory_space<vmem>>
    %dma_wait3A_123 = tpu.memref_squeeze %dma_wait3A_122 : memref<1x128x128xf32, #tpu.memory_space<vmem>> -> memref<128x128xf32, #tpu.memory_space<vmem>>
    %dma_wait3A_124 = arith.constant 0 : i32
    %dma_wait3A_125 = arith.constant 0 : i32
    %dma_wait3A_126 = tpu.memref_slice %arg5[%dma_wait3A_124, %dma_wait3A_125] : memref<1000000x128xf32, #tpu.memory_space<hbm>> -> memref<128x128xf32, #tpu.memory_space<hbm>>
    tpu.wait_dma2 semaphore(%arg17 : memref<!tpu.dma_semaphore, #tpu.memory_space<semaphore_mem>>) src(%dma_wait3A_126 : memref<128x128xf32, #tpu.memory_space<hbm>>) dst(%dma_wait3A_123 : memref<128x128xf32, #tpu.memory_space<vmem>>)
    %dma_wait3A_127 = arith.constant 0 : i32
    %dma_wait3A_128 = arith.constant 0 : i32
    %dma_wait3A_129 = arith.constant 0 : i32
    %dma_wait3A_130 = tpu.memref_slice %arg13[%dma_wait3A_127, %dma_wait3A_128, %dma_wait3A_129] : memref<2x128x128xf32, #tpu.memory_space<vmem>> -> memref<1x128x128xf32, #tpu.memory_space<vmem>>
    %dma_wait3A_131 = tpu.memref_squeeze %dma_wait3A_130 : memref<1x128x128xf32, #tpu.memory_space<vmem>> -> memref<128x128xf32, #tpu.memory_space<vmem>>
    %dma_wait3A_132 = arith.constant 0 : i32
    %dma_wait3A_133 = arith.constant 0 : i32
    %dma_wait3A_134 = tpu.memref_slice %arg6[%dma_wait3A_132, %dma_wait3A_133] : memref<1000000x128xf32, #tpu.memory_space<hbm>> -> memref<128x128xf32, #tpu.memory_space<hbm>>
    %dma_wait3A_135 = arith.constant 0 : i32
    %dma_wait3A_136 = arith.constant 0 : i32
    %dma_wait3A_137 = tpu.memref_slice %arg13[%dma_wait3A_127, %dma_wait3A_135, %dma_wait3A_136] : memref<2x128x128xf32, #tpu.memory_space<vmem>> -> memref<1x128x128xf32, #tpu.memory_space<vmem>>
    %dma_wait3A_138 = tpu.memref_squeeze %dma_wait3A_137 : memref<1x128x128xf32, #tpu.memory_space<vmem>> -> memref<128x128xf32, #tpu.memory_space<vmem>>
    %dma_wait3A_139 = arith.constant 0 : i32
    %dma_wait3A_140 = arith.constant 0 : i32
    %dma_wait3A_141 = tpu.memref_slice %arg6[%dma_wait3A_139, %dma_wait3A_140] : memref<1000000x128xf32, #tpu.memory_space<hbm>> -> memref<128x128xf32, #tpu.memory_space<hbm>>
    tpu.wait_dma2 semaphore(%arg17 : memref<!tpu.dma_semaphore, #tpu.memory_space<semaphore_mem>>) src(%dma_wait3A_141 : memref<128x128xf32, #tpu.memory_space<hbm>>) dst(%dma_wait3A_138 : memref<128x128xf32, #tpu.memory_space<vmem>>)
    %dma_wait3A_142 = arith.constant 0 : i32
    %dma_wait3A_143 = arith.constant 0 : i32
    %dma_wait3A_144 = arith.constant 0 : i32
    %dma_wait3A_145 = tpu.memref_slice %arg14[%dma_wait3A_142, %dma_wait3A_143, %dma_wait3A_144] : memref<2x128x128xf32, #tpu.memory_space<vmem>> -> memref<1x128x128xf32, #tpu.memory_space<vmem>>
    %dma_wait3A_146 = tpu.memref_squeeze %dma_wait3A_145 : memref<1x128x128xf32, #tpu.memory_space<vmem>> -> memref<128x128xf32, #tpu.memory_space<vmem>>
    %dma_wait3A_147 = arith.constant 0 : i32
    %dma_wait3A_148 = arith.constant 0 : i32
    %dma_wait3A_149 = tpu.memref_slice %arg6[%dma_wait3A_147, %dma_wait3A_148] : memref<1000000x128xf32, #tpu.memory_space<hbm>> -> memref<128x128xf32, #tpu.memory_space<hbm>>
    %dma_wait3A_150 = arith.constant 0 : i32
    %dma_wait3A_151 = arith.constant 0 : i32
    %dma_wait3A_152 = tpu.memref_slice %arg14[%dma_wait3A_142, %dma_wait3A_150, %dma_wait3A_151] : memref<2x128x128xf32, #tpu.memory_space<vmem>> -> memref<1x128x128xf32, #tpu.memory_space<vmem>>
    %dma_wait3A_153 = tpu.memref_squeeze %dma_wait3A_152 : memref<1x128x128xf32, #tpu.memory_space<vmem>> -> memref<128x128xf32, #tpu.memory_space<vmem>>
    %dma_wait3A_154 = arith.constant 0 : i32
    %dma_wait3A_155 = arith.constant 0 : i32
    %dma_wait3A_156 = tpu.memref_slice %arg6[%dma_wait3A_154, %dma_wait3A_155] : memref<1000000x128xf32, #tpu.memory_space<hbm>> -> memref<128x128xf32, #tpu.memory_space<hbm>>
    tpu.wait_dma2 semaphore(%arg17 : memref<!tpu.dma_semaphore, #tpu.memory_space<semaphore_mem>>) src(%dma_wait3A_156 : memref<128x128xf32, #tpu.memory_space<hbm>>) dst(%dma_wait3A_153 : memref<128x128xf32, #tpu.memory_space<vmem>>)
    %dma_start3A_157 = arith.constant 0 : i32
    %dma_start3A_158 = arith.constant 0 : i32
    %dma_start3A_159 = arith.constant 0 : i32
    %dma_start3A_160 = tpu.memref_slice %arg12[%dma_start3A_157, %dma_start3A_158, %dma_start3A_159] : memref<2x128x128xf32, #tpu.memory_space<vmem>> -> memref<1x128x128xf32, #tpu.memory_space<vmem>>
    %dma_start3A_161 = tpu.memref_squeeze %dma_start3A_160 : memref<1x128x128xf32, #tpu.memory_space<vmem>> -> memref<128x128xf32, #tpu.memory_space<vmem>>
    %dma_start3A_162 = arith.constant 256 : i32
    %dma_start3A_163 = tpu.memref_slice %arg9[%dma_start3A_162] : memref<512xi32, #tpu.memory_space<vmem>> -> memref<128xi32, #tpu.memory_space<vmem>>
    %dma_start3A_164 = arith.constant 0 : i32
    %dma_start3A_165 = arith.constant 0 : i32
    %dma_start3A_166 = tpu.memref_slice %arg5[%dma_start3A_164, %dma_start3A_165] : memref<1000000x128xf32, #tpu.memory_space<hbm>> -> memref<1000000x128xf32, #tpu.memory_space<hbm>>
    tpu.enqueue_indirect_dma source(%dma_start3A_166 : memref<1000000x128xf32, #tpu.memory_space<hbm>>) target(%dma_start3A_161 : memref<128x128xf32, #tpu.memory_space<vmem>>) offsets(%dma_start3A_163 : memref<128xi32, #tpu.memory_space<vmem>>) semaphore(%arg17 : memref<!tpu.dma_semaphore, #tpu.memory_space<semaphore_mem>>)
    %dma_start3A_167 = arith.constant 0 : i32
    %dma_start3A_168 = arith.constant 0 : i32
    %dma_start3A_169 = arith.constant 0 : i32
    %dma_start3A_170 = tpu.memref_slice %arg13[%dma_start3A_167, %dma_start3A_168, %dma_start3A_169] : memref<2x128x128xf32, #tpu.memory_space<vmem>> -> memref<1x128x128xf32, #tpu.memory_space<vmem>>
    %dma_start3A_171 = tpu.memref_squeeze %dma_start3A_170 : memref<1x128x128xf32, #tpu.memory_space<vmem>> -> memref<128x128xf32, #tpu.memory_space<vmem>>
    %dma_start3A_172 = arith.constant 256 : i32
    %dma_start3A_173 = tpu.memref_slice %arg10[%dma_start3A_172] : memref<512xi32, #tpu.memory_space<vmem>> -> memref<128xi32, #tpu.memory_space<vmem>>
    %dma_start3A_174 = arith.constant 0 : i32
    %dma_start3A_175 = arith.constant 0 : i32
    %dma_start3A_176 = tpu.memref_slice %arg6[%dma_start3A_174, %dma_start3A_175] : memref<1000000x128xf32, #tpu.memory_space<hbm>> -> memref<1000000x128xf32, #tpu.memory_space<hbm>>
    tpu.enqueue_indirect_dma source(%dma_start3A_176 : memref<1000000x128xf32, #tpu.memory_space<hbm>>) target(%dma_start3A_171 : memref<128x128xf32, #tpu.memory_space<vmem>>) offsets(%dma_start3A_173 : memref<128xi32, #tpu.memory_space<vmem>>) semaphore(%arg17 : memref<!tpu.dma_semaphore, #tpu.memory_space<semaphore_mem>>)
    %dma_start3A_177 = arith.constant 0 : i32
    %dma_start3A_178 = arith.constant 0 : i32
    %dma_start3A_179 = arith.constant 0 : i32
    %dma_start3A_180 = tpu.memref_slice %arg14[%dma_start3A_177, %dma_start3A_178, %dma_start3A_179] : memref<2x128x128xf32, #tpu.memory_space<vmem>> -> memref<1x128x128xf32, #tpu.memory_space<vmem>>
    %dma_start3A_181 = tpu.memref_squeeze %dma_start3A_180 : memref<1x128x128xf32, #tpu.memory_space<vmem>> -> memref<128x128xf32, #tpu.memory_space<vmem>>
    %dma_start3A_182 = arith.constant 256 : i32
    %dma_start3A_183 = tpu.memref_slice %arg11[%dma_start3A_182] : memref<512xi32, #tpu.memory_space<vmem>> -> memref<128xi32, #tpu.memory_space<vmem>>
    %dma_start3A_184 = arith.constant 0 : i32
    %dma_start3A_185 = arith.constant 0 : i32
    %dma_start3A_186 = tpu.memref_slice %arg6[%dma_start3A_184, %dma_start3A_185] : memref<1000000x128xf32, #tpu.memory_space<hbm>> -> memref<1000000x128xf32, #tpu.memory_space<hbm>>
    tpu.enqueue_indirect_dma source(%dma_start3A_186 : memref<1000000x128xf32, #tpu.memory_space<hbm>>) target(%dma_start3A_181 : memref<128x128xf32, #tpu.memory_space<vmem>>) offsets(%dma_start3A_183 : memref<128xi32, #tpu.memory_space<vmem>>) semaphore(%arg17 : memref<!tpu.dma_semaphore, #tpu.memory_space<semaphore_mem>>)
    %scan3A_187 = arith.constant 0 : i32
    %scan3A_188 = arith.constant 128 : i32
    %scan3A_189 = arith.addi %scan3A_187, %scan3A_188 : i32
    %scan3A_190 = arith.constant 1 : i32
    %scan3A_191 = scf.for %scan3A_332 = %scan3A_187 to %scan3A_189 step %scan3A_190 iter_args(%scan3A_333 = %scan3A_110) -> (vector<16xf32>)  : i32 {
      %get3A = arith.constant 1 : i32
      %get3A_334 = arith.constant 0 : i32
      %get3A_335 = tpu.memref_slice %arg12[%get3A, %scan3A_332, %get3A_334] : memref<2x128x128xf32, #tpu.memory_space<vmem>> -> memref<1x1x128xf32, #tpu.memory_space<vmem>>
      %get3A_336 = tpu.memref_squeeze %get3A_335 : memref<1x1x128xf32, #tpu.memory_space<vmem>> -> memref<128xf32, #tpu.memory_space<vmem>>
      %get3A_337 = arith.constant 0 : index
      %get3A_338 = tpu.vector_load %get3A_336[%get3A_337] {strides = array<i32>} : memref<128xf32, #tpu.memory_space<vmem>>, vector<16xf32>,
      %get3A_339 = vector.shape_cast %get3A_338 : vector<16xf32> to vector<16xf32>
      %get3A_340 = arith.constant 1 : i32
      %get3A_341 = arith.constant 0 : i32
      %get3A_342 = tpu.memref_slice %arg13[%get3A_340, %scan3A_332, %get3A_341] : memref<2x128x128xf32, #tpu.memory_space<vmem>> -> memref<1x1x128xf32, #tpu.memory_space<vmem>>
      %get3A_343 = tpu.memref_squeeze %get3A_342 : memref<1x1x128xf32, #tpu.memory_space<vmem>> -> memref<128xf32, #tpu.memory_space<vmem>>
      %get3A_344 = arith.constant 0 : index
      %get3A_345 = tpu.vector_load %get3A_343[%get3A_344] {strides = array<i32>} : memref<128xf32, #tpu.memory_space<vmem>>, vector<16xf32>,
      %get3A_346 = vector.shape_cast %get3A_345 : vector<16xf32> to vector<16xf32>
      %get3A_347 = arith.constant 1 : i32
      %get3A_348 = arith.constant 0 : i32
      %get3A_349 = tpu.memref_slice %arg14[%get3A_347, %scan3A_332, %get3A_348] : memref<2x128x128xf32, #tpu.memory_space<vmem>> -> memref<1x1x128xf32, #tpu.memory_space<vmem>>
      %get3A_350 = tpu.memref_squeeze %get3A_349 : memref<1x1x128xf32, #tpu.memory_space<vmem>> -> memref<128xf32, #tpu.memory_space<vmem>>
      %get3A_351 = arith.constant 0 : index
      %get3A_352 = tpu.vector_load %get3A_350[%get3A_351] {strides = array<i32>} : memref<128xf32, #tpu.memory_space<vmem>>, vector<16xf32>,
      %get3A_353 = vector.shape_cast %get3A_352 : vector<16xf32> to vector<16xf32>
      %sub3A = arith.subf %get3A_346, %get3A_353 : vector<16xf32>
      %mul3A_354 = arith.mulf %get3A_339, %sub3A : vector<16xf32>
      %add3A_355 = arith.addf %broadcast_in_dim3A_32, %mul3A_354 : vector<16xf32>
      %mul3A_356 = arith.mulf %get3A_339, %get3A_339 : vector<16xf32>
      %add3A_357 = arith.addf %scan3A_333, %mul3A_356 : vector<16xf32>
      %mul3A_358 = arith.mulf %get3A_346, %get3A_346 : vector<16xf32>
      %add3A_359 = arith.addf %add3A_357, %mul3A_358 : vector<16xf32>
      %mul3A_360 = arith.mulf %get3A_353, %get3A_353 : vector<16xf32>
      %add3A_361 = arith.addf %add3A_359, %mul3A_360 : vector<16xf32>
      %get3A_362 = arith.constant 1 : i32
      %get3A_363 = arith.constant 0 : i32
      %get3A_364 = tpu.memref_slice %arg12[%get3A_362, %scan3A_332, %get3A_363] : memref<2x128x128xf32, #tpu.memory_space<vmem>> -> memref<1x1x128xf32, #tpu.memory_space<vmem>>
      %get3A_365 = tpu.memref_squeeze %get3A_364 : memref<1x1x128xf32, #tpu.memory_space<vmem>> -> memref<128xf32, #tpu.memory_space<vmem>>
      %get3A_366 = arith.constant 16 : index
      %get3A_367 = tpu.vector_load %get3A_365[%get3A_366] {strides = array<i32>} : memref<128xf32, #tpu.memory_space<vmem>>, vector<16xf32>,
      %get3A_368 = vector.shape_cast %get3A_367 : vector<16xf32> to vector<16xf32>
      %get3A_369 = arith.constant 1 : i32
      %get3A_370 = arith.constant 0 : i32
      %get3A_371 = tpu.memref_slice %arg13[%get3A_369, %scan3A_332, %get3A_370] : memref<2x128x128xf32, #tpu.memory_space<vmem>> -> memref<1x1x128xf32, #tpu.memory_space<vmem>>
      %get3A_372 = tpu.memref_squeeze %get3A_371 : memref<1x1x128xf32, #tpu.memory_space<vmem>> -> memref<128xf32, #tpu.memory_space<vmem>>
      %get3A_373 = arith.constant 16 : index
      %get3A_374 = tpu.vector_load %get3A_372[%get3A_373] {strides = array<i32>} : memref<128xf32, #tpu.memory_space<vmem>>, vector<16xf32>,
      %get3A_375 = vector.shape_cast %get3A_374 : vector<16xf32> to vector<16xf32>
      %get3A_376 = arith.constant 1 : i32
      %get3A_377 = arith.constant 0 : i32
      %get3A_378 = tpu.memref_slice %arg14[%get3A_376, %scan3A_332, %get3A_377] : memref<2x128x128xf32, #tpu.memory_space<vmem>> -> memref<1x1x128xf32, #tpu.memory_space<vmem>>
      %get3A_379 = tpu.memref_squeeze %get3A_378 : memref<1x1x128xf32, #tpu.memory_space<vmem>> -> memref<128xf32, #tpu.memory_space<vmem>>
      %get3A_380 = arith.constant 16 : index
      %get3A_381 = tpu.vector_load %get3A_379[%get3A_380] {strides = array<i32>} : memref<128xf32, #tpu.memory_space<vmem>>, vector<16xf32>,
      %get3A_382 = vector.shape_cast %get3A_381 : vector<16xf32> to vector<16xf32>
      %sub3A_383 = arith.subf %get3A_375, %get3A_382 : vector<16xf32>
      %mul3A_384 = arith.mulf %get3A_368, %sub3A_383 : vector<16xf32>
      %add3A_385 = arith.addf %add3A_355, %mul3A_384 : vector<16xf32>
      %mul3A_386 = arith.mulf %get3A_368, %get3A_368 : vector<16xf32>
      %add3A_387 = arith.addf %add3A_361, %mul3A_386 : vector<16xf32>
      %mul3A_388 = arith.mulf %get3A_375, %get3A_375 : vector<16xf32>
      %add3A_389 = arith.addf %add3A_387, %mul3A_388 : vector<16xf32>
      %mul3A_390 = arith.mulf %get3A_382, %get3A_382 : vector<16xf32>
      %add3A_391 = arith.addf %add3A_389, %mul3A_390 : vector<16xf32>
      %get3A_392 = arith.constant 1 : i32
      %get3A_393 = arith.constant 0 : i32
      %get3A_394 = tpu.memref_slice %arg12[%get3A_392, %scan3A_332, %get3A_393] : memref<2x128x128xf32, #tpu.memory_space<vmem>> -> memref<1x1x128xf32, #tpu.memory_space<vmem>>
      %get3A_395 = tpu.memref_squeeze %get3A_394 : memref<1x1x128xf32, #tpu.memory_space<vmem>> -> memref<128xf32, #tpu.memory_space<vmem>>
      %get3A_396 = arith.constant 32 : index
      %get3A_397 = tpu.vector_load %get3A_395[%get3A_396] {strides = array<i32>} : memref<128xf32, #tpu.memory_space<vmem>>, vector<16xf32>,
      %get3A_398 = vector.shape_cast %get3A_397 : vector<16xf32> to vector<16xf32>
      %get3A_399 = arith.constant 1 : i32
      %get3A_400 = arith.constant 0 : i32
      %get3A_401 = tpu.memref_slice %arg13[%get3A_399, %scan3A_332, %get3A_400] : memref<2x128x128xf32, #tpu.memory_space<vmem>> -> memref<1x1x128xf32, #tpu.memory_space<vmem>>
      %get3A_402 = tpu.memref_squeeze %get3A_401 : memref<1x1x128xf32, #tpu.memory_space<vmem>> -> memref<128xf32, #tpu.memory_space<vmem>>
      %get3A_403 = arith.constant 32 : index
      %get3A_404 = tpu.vector_load %get3A_402[%get3A_403] {strides = array<i32>} : memref<128xf32, #tpu.memory_space<vmem>>, vector<16xf32>,
      %get3A_405 = vector.shape_cast %get3A_404 : vector<16xf32> to vector<16xf32>
      %get3A_406 = arith.constant 1 : i32
      %get3A_407 = arith.constant 0 : i32
      %get3A_408 = tpu.memref_slice %arg14[%get3A_406, %scan3A_332, %get3A_407] : memref<2x128x128xf32, #tpu.memory_space<vmem>> -> memref<1x1x128xf32, #tpu.memory_space<vmem>>
      %get3A_409 = tpu.memref_squeeze %get3A_408 : memref<1x1x128xf32, #tpu.memory_space<vmem>> -> memref<128xf32, #tpu.memory_space<vmem>>
      %get3A_410 = arith.constant 32 : index
      %get3A_411 = tpu.vector_load %get3A_409[%get3A_410] {strides = array<i32>} : memref<128xf32, #tpu.memory_space<vmem>>, vector<16xf32>,
      %get3A_412 = vector.shape_cast %get3A_411 : vector<16xf32> to vector<16xf32>
      %sub3A_413 = arith.subf %get3A_405, %get3A_412 : vector<16xf32>
      %mul3A_414 = arith.mulf %get3A_398, %sub3A_413 : vector<16xf32>
      %add3A_415 = arith.addf %add3A_385, %mul3A_414 : vector<16xf32>
      %mul3A_416 = arith.mulf %get3A_398, %get3A_398 : vector<16xf32>
      %add3A_417 = arith.addf %add3A_391, %mul3A_416 : vector<16xf32>
      %mul3A_418 = arith.mulf %get3A_405, %get3A_405 : vector<16xf32>
      %add3A_419 = arith.addf %add3A_417, %mul3A_418 : vector<16xf32>
      %mul3A_420 = arith.mulf %get3A_412, %get3A_412 : vector<16xf32>
      %add3A_421 = arith.addf %add3A_419, %mul3A_420 : vector<16xf32>
      %get3A_422 = arith.constant 1 : i32
      %get3A_423 = arith.constant 0 : i32
      %get3A_424 = tpu.memref_slice %arg12[%get3A_422, %scan3A_332, %get3A_423] : memref<2x128x128xf32, #tpu.memory_space<vmem>> -> memref<1x1x128xf32, #tpu.memory_space<vmem>>
      %get3A_425 = tpu.memref_squeeze %get3A_424 : memref<1x1x128xf32, #tpu.memory_space<vmem>> -> memref<128xf32, #tpu.memory_space<vmem>>
      %get3A_426 = arith.constant 48 : index
      %get3A_427 = tpu.vector_load %get3A_425[%get3A_426] {strides = array<i32>} : memref<128xf32, #tpu.memory_space<vmem>>, vector<16xf32>,
      %get3A_428 = vector.shape_cast %get3A_427 : vector<16xf32> to vector<16xf32>
      %get3A_429 = arith.constant 1 : i32
      %get3A_430 = arith.constant 0 : i32
      %get3A_431 = tpu.memref_slice %arg13[%get3A_429, %scan3A_332, %get3A_430] : memref<2x128x128xf32, #tpu.memory_space<vmem>> -> memref<1x1x128xf32, #tpu.memory_space<vmem>>
      %get3A_432 = tpu.memref_squeeze %get3A_431 : memref<1x1x128xf32, #tpu.memory_space<vmem>> -> memref<128xf32, #tpu.memory_space<vmem>>
      %get3A_433 = arith.constant 48 : index
      %get3A_434 = tpu.vector_load %get3A_432[%get3A_433] {strides = array<i32>} : memref<128xf32, #tpu.memory_space<vmem>>, vector<16xf32>,
      %get3A_435 = vector.shape_cast %get3A_434 : vector<16xf32> to vector<16xf32>
      %get3A_436 = arith.constant 1 : i32
      %get3A_437 = arith.constant 0 : i32
      %get3A_438 = tpu.memref_slice %arg14[%get3A_436, %scan3A_332, %get3A_437] : memref<2x128x128xf32, #tpu.memory_space<vmem>> -> memref<1x1x128xf32, #tpu.memory_space<vmem>>
      %get3A_439 = tpu.memref_squeeze %get3A_438 : memref<1x1x128xf32, #tpu.memory_space<vmem>> -> memref<128xf32, #tpu.memory_space<vmem>>
      %get3A_440 = arith.constant 48 : index
      %get3A_441 = tpu.vector_load %get3A_439[%get3A_440] {strides = array<i32>} : memref<128xf32, #tpu.memory_space<vmem>>, vector<16xf32>,
      %get3A_442 = vector.shape_cast %get3A_441 : vector<16xf32> to vector<16xf32>
      %sub3A_443 = arith.subf %get3A_435, %get3A_442 : vector<16xf32>
      %mul3A_444 = arith.mulf %get3A_428, %sub3A_443 : vector<16xf32>
      %add3A_445 = arith.addf %add3A_415, %mul3A_444 : vector<16xf32>
      %mul3A_446 = arith.mulf %get3A_428, %get3A_428 : vector<16xf32>
      %add3A_447 = arith.addf %add3A_421, %mul3A_446 : vector<16xf32>
      %mul3A_448 = arith.mulf %get3A_435, %get3A_435 : vector<16xf32>
      %add3A_449 = arith.addf %add3A_447, %mul3A_448 : vector<16xf32>
      %mul3A_450 = arith.mulf %get3A_442, %get3A_442 : vector<16xf32>
      %add3A_451 = arith.addf %add3A_449, %mul3A_450 : vector<16xf32>
      %add3A_452 = arith.constant 128 : i32
      %add3A_453 = arith.addi %add3A_452, %scan3A_332 : i32
      %mul3A_454 = arith.constant 16 : i32
      %mul3A_455 = arith.muli %add3A_453, %mul3A_454 : i32
      %swap3A_456 = arith.index_cast %mul3A_455 : i32 to index
      %swap3A_457 = tpu.vector_load %arg15[%swap3A_456] {strides = array<i32>} : memref<8192xf32, #tpu.memory_space<vmem>>, vector<16xf32>,
      %swap3A_458 = vector.shape_cast %swap3A_457 : vector<16xf32> to vector<16xf32>
      %swap3A_459 = vector.shape_cast %add3A_445 : vector<16xf32> to vector<16xf32>
      tpu.vector_store %arg15[%swap3A_456], %swap3A_459 {strides = array<i32>} : memref<8192xf32, #tpu.memory_space<vmem>>, vector<16xf32>,
      scf.yield %add3A_451 : vector<16xf32>
    }
    %scan3A_192 = arith.constant 128 : i32
    %dma_wait3A_193 = arith.constant 0 : i32
    %dma_wait3A_194 = arith.constant 0 : i32
    %dma_wait3A_195 = arith.constant 0 : i32
    %dma_wait3A_196 = tpu.memref_slice %arg12[%dma_wait3A_193, %dma_wait3A_194, %dma_wait3A_195] : memref<2x128x128xf32, #tpu.memory_space<vmem>> -> memref<1x128x128xf32, #tpu.memory_space<vmem>>
    %dma_wait3A_197 = tpu.memref_squeeze %dma_wait3A_196 : memref<1x128x128xf32, #tpu.memory_space<vmem>> -> memref<128x128xf32, #tpu.memory_space<vmem>>
    %dma_wait3A_198 = arith.constant 0 : i32
    %dma_wait3A_199 = arith.constant 0 : i32
    %dma_wait3A_200 = tpu.memref_slice %arg5[%dma_wait3A_198, %dma_wait3A_199] : memref<1000000x128xf32, #tpu.memory_space<hbm>> -> memref<128x128xf32, #tpu.memory_space<hbm>>
    %dma_wait3A_201 = arith.constant 0 : i32
    %dma_wait3A_202 = arith.constant 0 : i32
    %dma_wait3A_203 = tpu.memref_slice %arg12[%dma_wait3A_193, %dma_wait3A_201, %dma_wait3A_202] : memref<2x128x128xf32, #tpu.memory_space<vmem>> -> memref<1x128x128xf32, #tpu.memory_space<vmem>>
    %dma_wait3A_204 = tpu.memref_squeeze %dma_wait3A_203 : memref<1x128x128xf32, #tpu.memory_space<vmem>> -> memref<128x128xf32, #tpu.memory_space<vmem>>
    %dma_wait3A_205 = arith.constant 0 : i32
    %dma_wait3A_206 = arith.constant 0 : i32
    %dma_wait3A_207 = tpu.memref_slice %arg5[%dma_wait3A_205, %dma_wait3A_206] : memref<1000000x128xf32, #tpu.memory_space<hbm>> -> memref<128x128xf32, #tpu.memory_space<hbm>>
    tpu.wait_dma2 semaphore(%arg17 : memref<!tpu.dma_semaphore, #tpu.memory_space<semaphore_mem>>) src(%dma_wait3A_207 : memref<128x128xf32, #tpu.memory_space<hbm>>) dst(%dma_wait3A_204 : memref<128x128xf32, #tpu.memory_space<vmem>>)
    %dma_wait3A_208 = arith.constant 0 : i32
    %dma_wait3A_209 = arith.constant 0 : i32
    %dma_wait3A_210 = arith.constant 0 : i32
    %dma_wait3A_211 = tpu.memref_slice %arg13[%dma_wait3A_208, %dma_wait3A_209, %dma_wait3A_210] : memref<2x128x128xf32, #tpu.memory_space<vmem>> -> memref<1x128x128xf32, #tpu.memory_space<vmem>>
    %dma_wait3A_212 = tpu.memref_squeeze %dma_wait3A_211 : memref<1x128x128xf32, #tpu.memory_space<vmem>> -> memref<128x128xf32, #tpu.memory_space<vmem>>
    %dma_wait3A_213 = arith.constant 0 : i32
    %dma_wait3A_214 = arith.constant 0 : i32
    %dma_wait3A_215 = tpu.memref_slice %arg6[%dma_wait3A_213, %dma_wait3A_214] : memref<1000000x128xf32, #tpu.memory_space<hbm>> -> memref<128x128xf32, #tpu.memory_space<hbm>>
    %dma_wait3A_216 = arith.constant 0 : i32
    %dma_wait3A_217 = arith.constant 0 : i32
    %dma_wait3A_218 = tpu.memref_slice %arg13[%dma_wait3A_208, %dma_wait3A_216, %dma_wait3A_217] : memref<2x128x128xf32, #tpu.memory_space<vmem>> -> memref<1x128x128xf32, #tpu.memory_space<vmem>>
    %dma_wait3A_219 = tpu.memref_squeeze %dma_wait3A_218 : memref<1x128x128xf32, #tpu.memory_space<vmem>> -> memref<128x128xf32, #tpu.memory_space<vmem>>
    %dma_wait3A_220 = arith.constant 0 : i32
    %dma_wait3A_221 = arith.constant 0 : i32
    %dma_wait3A_222 = tpu.memref_slice %arg6[%dma_wait3A_220, %dma_wait3A_221] : memref<1000000x128xf32, #tpu.memory_space<hbm>> -> memref<128x128xf32, #tpu.memory_space<hbm>>
    tpu.wait_dma2 semaphore(%arg17 : memref<!tpu.dma_semaphore, #tpu.memory_space<semaphore_mem>>) src(%dma_wait3A_222 : memref<128x128xf32, #tpu.memory_space<hbm>>) dst(%dma_wait3A_219 : memref<128x128xf32, #tpu.memory_space<vmem>>)
    %dma_wait3A_223 = arith.constant 0 : i32
    %dma_wait3A_224 = arith.constant 0 : i32
    %dma_wait3A_225 = arith.constant 0 : i32
    %dma_wait3A_226 = tpu.memref_slice %arg14[%dma_wait3A_223, %dma_wait3A_224, %dma_wait3A_225] : memref<2x128x128xf32, #tpu.memory_space<vmem>> -> memref<1x128x128xf32, #tpu.memory_space<vmem>>
    %dma_wait3A_227 = tpu.memref_squeeze %dma_wait3A_226 : memref<1x128x128xf32, #tpu.memory_space<vmem>> -> memref<128x128xf32, #tpu.memory_space<vmem>>
    %dma_wait3A_228 = arith.constant 0 : i32
    %dma_wait3A_229 = arith.constant 0 : i32
    %dma_wait3A_230 = tpu.memref_slice %arg6[%dma_wait3A_228, %dma_wait3A_229] : memref<1000000x128xf32, #tpu.memory_space<hbm>> -> memref<128x128xf32, #tpu.memory_space<hbm>>
    %dma_wait3A_231 = arith.constant 0 : i32
    %dma_wait3A_232 = arith.constant 0 : i32
    %dma_wait3A_233 = tpu.memref_slice %arg14[%dma_wait3A_223, %dma_wait3A_231, %dma_wait3A_232] : memref<2x128x128xf32, #tpu.memory_space<vmem>> -> memref<1x128x128xf32, #tpu.memory_space<vmem>>
    %dma_wait3A_234 = tpu.memref_squeeze %dma_wait3A_233 : memref<1x128x128xf32, #tpu.memory_space<vmem>> -> memref<128x128xf32, #tpu.memory_space<vmem>>
    %dma_wait3A_235 = arith.constant 0 : i32
    %dma_wait3A_236 = arith.constant 0 : i32
    %dma_wait3A_237 = tpu.memref_slice %arg6[%dma_wait3A_235, %dma_wait3A_236] : memref<1000000x128xf32, #tpu.memory_space<hbm>> -> memref<128x128xf32, #tpu.memory_space<hbm>>
    tpu.wait_dma2 semaphore(%arg17 : memref<!tpu.dma_semaphore, #tpu.memory_space<semaphore_mem>>) src(%dma_wait3A_237 : memref<128x128xf32, #tpu.memory_space<hbm>>) dst(%dma_wait3A_234 : memref<128x128xf32, #tpu.memory_space<vmem>>)
    %dma_start3A_238 = arith.constant 1 : i32
    %dma_start3A_239 = arith.constant 0 : i32
    %dma_start3A_240 = arith.constant 0 : i32
    %dma_start3A_241 = tpu.memref_slice %arg12[%dma_start3A_238, %dma_start3A_239, %dma_start3A_240] : memref<2x128x128xf32, #tpu.memory_space<vmem>> -> memref<1x128x128xf32, #tpu.memory_space<vmem>>
    %dma_start3A_242 = tpu.memref_squeeze %dma_start3A_241 : memref<1x128x128xf32, #tpu.memory_space<vmem>> -> memref<128x128xf32, #tpu.memory_space<vmem>>
    %dma_start3A_243 = arith.constant 384 : i32
    %dma_start3A_244 = tpu.memref_slice %arg9[%dma_start3A_243] : memref<512xi32, #tpu.memory_space<vmem>> -> memref<128xi32, #tpu.memory_space<vmem>>
    %dma_start3A_245 = arith.constant 0 : i32
    %dma_start3A_246 = arith.constant 0 : i32
    %dma_start3A_247 = tpu.memref_slice %arg5[%dma_start3A_245, %dma_start3A_246] : memref<1000000x128xf32, #tpu.memory_space<hbm>> -> memref<1000000x128xf32, #tpu.memory_space<hbm>>
    tpu.enqueue_indirect_dma source(%dma_start3A_247 : memref<1000000x128xf32, #tpu.memory_space<hbm>>) target(%dma_start3A_242 : memref<128x128xf32, #tpu.memory_space<vmem>>) offsets(%dma_start3A_244 : memref<128xi32, #tpu.memory_space<vmem>>) semaphore(%arg17 : memref<!tpu.dma_semaphore, #tpu.memory_space<semaphore_mem>>)
    %dma_start3A_248 = arith.constant 1 : i32
    %dma_start3A_249 = arith.constant 0 : i32
    %dma_start3A_250 = arith.constant 0 : i32
    %dma_start3A_251 = tpu.memref_slice %arg13[%dma_start3A_248, %dma_start3A_249, %dma_start3A_250] : memref<2x128x128xf32, #tpu.memory_space<vmem>> -> memref<1x128x128xf32, #tpu.memory_space<vmem>>
    %dma_start3A_252 = tpu.memref_squeeze %dma_start3A_251 : memref<1x128x128xf32, #tpu.memory_space<vmem>> -> memref<128x128xf32, #tpu.memory_space<vmem>>
    %dma_start3A_253 = arith.constant 384 : i32
    %dma_start3A_254 = tpu.memref_slice %arg10[%dma_start3A_253] : memref<512xi32, #tpu.memory_space<vmem>> -> memref<128xi32, #tpu.memory_space<vmem>>
    %dma_start3A_255 = arith.constant 0 : i32
    %dma_start3A_256 = arith.constant 0 : i32
    %dma_start3A_257 = tpu.memref_slice %arg6[%dma_start3A_255, %dma_start3A_256] : memref<1000000x128xf32, #tpu.memory_space<hbm>> -> memref<1000000x128xf32, #tpu.memory_space<hbm>>
    tpu.enqueue_indirect_dma source(%dma_start3A_257 : memref<1000000x128xf32, #tpu.memory_space<hbm>>) target(%dma_start3A_252 : memref<128x128xf32, #tpu.memory_space<vmem>>) offsets(%dma_start3A_254 : memref<128xi32, #tpu.memory_space<vmem>>) semaphore(%arg17 : memref<!tpu.dma_semaphore, #tpu.memory_space<semaphore_mem>>)
    %dma_start3A_258 = arith.constant 1 : i32
    %dma_start3A_259 = arith.constant 0 : i32
    %dma_start3A_260 = arith.constant 0 : i32
    %dma_start3A_261 = tpu.memref_slice %arg14[%dma_start3A_258, %dma_start3A_259, %dma_start3A_260] : memref<2x128x128xf32, #tpu.memory_space<vmem>> -> memref<1x128x128xf32, #tpu.memory_space<vmem>>
    %dma_start3A_262 = tpu.memref_squeeze %dma_start3A_261 : memref<1x128x128xf32, #tpu.memory_space<vmem>> -> memref<128x128xf32, #tpu.memory_space<vmem>>
    %dma_start3A_263 = arith.constant 384 : i32
    %dma_start3A_264 = tpu.memref_slice %arg11[%dma_start3A_263] : memref<512xi32, #tpu.memory_space<vmem>> -> memref<128xi32, #tpu.memory_space<vmem>>
    %dma_start3A_265 = arith.constant 0 : i32
    %dma_start3A_266 = arith.constant 0 : i32
    %dma_start3A_267 = tpu.memref_slice %arg6[%dma_start3A_265, %dma_start3A_266] : memref<1000000x128xf32, #tpu.memory_space<hbm>> -> memref<1000000x128xf32, #tpu.memory_space<hbm>>
    tpu.enqueue_indirect_dma source(%dma_start3A_267 : memref<1000000x128xf32, #tpu.memory_space<hbm>>) target(%dma_start3A_262 : memref<128x128xf32, #tpu.memory_space<vmem>>) offsets(%dma_start3A_264 : memref<128xi32, #tpu.memory_space<vmem>>) semaphore(%arg17 : memref<!tpu.dma_semaphore, #tpu.memory_space<semaphore_mem>>)
    %scan3A_268 = arith.constant 0 : i32
    %scan3A_269 = arith.constant 128 : i32
    %scan3A_270 = arith.addi %scan3A_268, %scan3A_269 : i32
    %scan3A_271 = arith.constant 1 : i32
    %scan3A_272 = scf.for %scan3A_332 = %scan3A_268 to %scan3A_270 step %scan3A_271 iter_args(%scan3A_333 = %scan3A_191) -> (vector<16xf32>)  : i32 {
      %get3A = arith.constant 0 : i32
      %get3A_334 = arith.constant 0 : i32
      %get3A_335 = tpu.memref_slice %arg12[%get3A, %scan3A_332, %get3A_334] : memref<2x128x128xf32, #tpu.memory_space<vmem>> -> memref<1x1x128xf32, #tpu.memory_space<vmem>>
      %get3A_336 = tpu.memref_squeeze %get3A_335 : memref<1x1x128xf32, #tpu.memory_space<vmem>> -> memref<128xf32, #tpu.memory_space<vmem>>
      %get3A_337 = arith.constant 0 : index
      %get3A_338 = tpu.vector_load %get3A_336[%get3A_337] {strides = array<i32>} : memref<128xf32, #tpu.memory_space<vmem>>, vector<16xf32>,
      %get3A_339 = vector.shape_cast %get3A_338 : vector<16xf32> to vector<16xf32>
      %get3A_340 = arith.constant 0 : i32
      %get3A_341 = arith.constant 0 : i32
      %get3A_342 = tpu.memref_slice %arg13[%get3A_340, %scan3A_332, %get3A_341] : memref<2x128x128xf32, #tpu.memory_space<vmem>> -> memref<1x1x128xf32, #tpu.memory_space<vmem>>
      %get3A_343 = tpu.memref_squeeze %get3A_342 : memref<1x1x128xf32, #tpu.memory_space<vmem>> -> memref<128xf32, #tpu.memory_space<vmem>>
      %get3A_344 = arith.constant 0 : index
      %get3A_345 = tpu.vector_load %get3A_343[%get3A_344] {strides = array<i32>} : memref<128xf32, #tpu.memory_space<vmem>>, vector<16xf32>,
      %get3A_346 = vector.shape_cast %get3A_345 : vector<16xf32> to vector<16xf32>
      %get3A_347 = arith.constant 0 : i32
      %get3A_348 = arith.constant 0 : i32
      %get3A_349 = tpu.memref_slice %arg14[%get3A_347, %scan3A_332, %get3A_348] : memref<2x128x128xf32, #tpu.memory_space<vmem>> -> memref<1x1x128xf32, #tpu.memory_space<vmem>>
      %get3A_350 = tpu.memref_squeeze %get3A_349 : memref<1x1x128xf32, #tpu.memory_space<vmem>> -> memref<128xf32, #tpu.memory_space<vmem>>
      %get3A_351 = arith.constant 0 : index
      %get3A_352 = tpu.vector_load %get3A_350[%get3A_351] {strides = array<i32>} : memref<128xf32, #tpu.memory_space<vmem>>, vector<16xf32>,
      %get3A_353 = vector.shape_cast %get3A_352 : vector<16xf32> to vector<16xf32>
      %sub3A = arith.subf %get3A_346, %get3A_353 : vector<16xf32>
      %mul3A_354 = arith.mulf %get3A_339, %sub3A : vector<16xf32>
      %add3A_355 = arith.addf %broadcast_in_dim3A_32, %mul3A_354 : vector<16xf32>
      %mul3A_356 = arith.mulf %get3A_339, %get3A_339 : vector<16xf32>
      %add3A_357 = arith.addf %scan3A_333, %mul3A_356 : vector<16xf32>
      %mul3A_358 = arith.mulf %get3A_346, %get3A_346 : vector<16xf32>
      %add3A_359 = arith.addf %add3A_357, %mul3A_358 : vector<16xf32>
      %mul3A_360 = arith.mulf %get3A_353, %get3A_353 : vector<16xf32>
      %add3A_361 = arith.addf %add3A_359, %mul3A_360 : vector<16xf32>
      %get3A_362 = arith.constant 0 : i32
      %get3A_363 = arith.constant 0 : i32
      %get3A_364 = tpu.memref_slice %arg12[%get3A_362, %scan3A_332, %get3A_363] : memref<2x128x128xf32, #tpu.memory_space<vmem>> -> memref<1x1x128xf32, #tpu.memory_space<vmem>>
      %get3A_365 = tpu.memref_squeeze %get3A_364 : memref<1x1x128xf32, #tpu.memory_space<vmem>> -> memref<128xf32, #tpu.memory_space<vmem>>
      %get3A_366 = arith.constant 16 : index
      %get3A_367 = tpu.vector_load %get3A_365[%get3A_366] {strides = array<i32>} : memref<128xf32, #tpu.memory_space<vmem>>, vector<16xf32>,
      %get3A_368 = vector.shape_cast %get3A_367 : vector<16xf32> to vector<16xf32>
      %get3A_369 = arith.constant 0 : i32
      %get3A_370 = arith.constant 0 : i32
      %get3A_371 = tpu.memref_slice %arg13[%get3A_369, %scan3A_332, %get3A_370] : memref<2x128x128xf32, #tpu.memory_space<vmem>> -> memref<1x1x128xf32, #tpu.memory_space<vmem>>
      %get3A_372 = tpu.memref_squeeze %get3A_371 : memref<1x1x128xf32, #tpu.memory_space<vmem>> -> memref<128xf32, #tpu.memory_space<vmem>>
      %get3A_373 = arith.constant 16 : index
      %get3A_374 = tpu.vector_load %get3A_372[%get3A_373] {strides = array<i32>} : memref<128xf32, #tpu.memory_space<vmem>>, vector<16xf32>,
      %get3A_375 = vector.shape_cast %get3A_374 : vector<16xf32> to vector<16xf32>
      %get3A_376 = arith.constant 0 : i32
      %get3A_377 = arith.constant 0 : i32
      %get3A_378 = tpu.memref_slice %arg14[%get3A_376, %scan3A_332, %get3A_377] : memref<2x128x128xf32, #tpu.memory_space<vmem>> -> memref<1x1x128xf32, #tpu.memory_space<vmem>>
      %get3A_379 = tpu.memref_squeeze %get3A_378 : memref<1x1x128xf32, #tpu.memory_space<vmem>> -> memref<128xf32, #tpu.memory_space<vmem>>
      %get3A_380 = arith.constant 16 : index
      %get3A_381 = tpu.vector_load %get3A_379[%get3A_380] {strides = array<i32>} : memref<128xf32, #tpu.memory_space<vmem>>, vector<16xf32>,
      %get3A_382 = vector.shape_cast %get3A_381 : vector<16xf32> to vector<16xf32>
      %sub3A_383 = arith.subf %get3A_375, %get3A_382 : vector<16xf32>
      %mul3A_384 = arith.mulf %get3A_368, %sub3A_383 : vector<16xf32>
      %add3A_385 = arith.addf %add3A_355, %mul3A_384 : vector<16xf32>
      %mul3A_386 = arith.mulf %get3A_368, %get3A_368 : vector<16xf32>
      %add3A_387 = arith.addf %add3A_361, %mul3A_386 : vector<16xf32>
      %mul3A_388 = arith.mulf %get3A_375, %get3A_375 : vector<16xf32>
      %add3A_389 = arith.addf %add3A_387, %mul3A_388 : vector<16xf32>
      %mul3A_390 = arith.mulf %get3A_382, %get3A_382 : vector<16xf32>
      %add3A_391 = arith.addf %add3A_389, %mul3A_390 : vector<16xf32>
      %get3A_392 = arith.constant 0 : i32
      %get3A_393 = arith.constant 0 : i32
      %get3A_394 = tpu.memref_slice %arg12[%get3A_392, %scan3A_332, %get3A_393] : memref<2x128x128xf32, #tpu.memory_space<vmem>> -> memref<1x1x128xf32, #tpu.memory_space<vmem>>
      %get3A_395 = tpu.memref_squeeze %get3A_394 : memref<1x1x128xf32, #tpu.memory_space<vmem>> -> memref<128xf32, #tpu.memory_space<vmem>>
      %get3A_396 = arith.constant 32 : index
      %get3A_397 = tpu.vector_load %get3A_395[%get3A_396] {strides = array<i32>} : memref<128xf32, #tpu.memory_space<vmem>>, vector<16xf32>,
      %get3A_398 = vector.shape_cast %get3A_397 : vector<16xf32> to vector<16xf32>
      %get3A_399 = arith.constant 0 : i32
      %get3A_400 = arith.constant 0 : i32
      %get3A_401 = tpu.memref_slice %arg13[%get3A_399, %scan3A_332, %get3A_400] : memref<2x128x128xf32, #tpu.memory_space<vmem>> -> memref<1x1x128xf32, #tpu.memory_space<vmem>>
      %get3A_402 = tpu.memref_squeeze %get3A_401 : memref<1x1x128xf32, #tpu.memory_space<vmem>> -> memref<128xf32, #tpu.memory_space<vmem>>
      %get3A_403 = arith.constant 32 : index
      %get3A_404 = tpu.vector_load %get3A_402[%get3A_403] {strides = array<i32>} : memref<128xf32, #tpu.memory_space<vmem>>, vector<16xf32>,
      %get3A_405 = vector.shape_cast %get3A_404 : vector<16xf32> to vector<16xf32>
      %get3A_406 = arith.constant 0 : i32
      %get3A_407 = arith.constant 0 : i32
      %get3A_408 = tpu.memref_slice %arg14[%get3A_406, %scan3A_332, %get3A_407] : memref<2x128x128xf32, #tpu.memory_space<vmem>> -> memref<1x1x128xf32, #tpu.memory_space<vmem>>
      %get3A_409 = tpu.memref_squeeze %get3A_408 : memref<1x1x128xf32, #tpu.memory_space<vmem>> -> memref<128xf32, #tpu.memory_space<vmem>>
      %get3A_410 = arith.constant 32 : index
      %get3A_411 = tpu.vector_load %get3A_409[%get3A_410] {strides = array<i32>} : memref<128xf32, #tpu.memory_space<vmem>>, vector<16xf32>,
      %get3A_412 = vector.shape_cast %get3A_411 : vector<16xf32> to vector<16xf32>
      %sub3A_413 = arith.subf %get3A_405, %get3A_412 : vector<16xf32>
      %mul3A_414 = arith.mulf %get3A_398, %sub3A_413 : vector<16xf32>
      %add3A_415 = arith.addf %add3A_385, %mul3A_414 : vector<16xf32>
      %mul3A_416 = arith.mulf %get3A_398, %get3A_398 : vector<16xf32>
      %add3A_417 = arith.addf %add3A_391, %mul3A_416 : vector<16xf32>
      %mul3A_418 = arith.mulf %get3A_405, %get3A_405 : vector<16xf32>
      %add3A_419 = arith.addf %add3A_417, %mul3A_418 : vector<16xf32>
      %mul3A_420 = arith.mulf %get3A_412, %get3A_412 : vector<16xf32>
      %add3A_421 = arith.addf %add3A_419, %mul3A_420 : vector<16xf32>
      %get3A_422 = arith.constant 0 : i32
      %get3A_423 = arith.constant 0 : i32
      %get3A_424 = tpu.memref_slice %arg12[%get3A_422, %scan3A_332, %get3A_423] : memref<2x128x128xf32, #tpu.memory_space<vmem>> -> memref<1x1x128xf32, #tpu.memory_space<vmem>>
      %get3A_425 = tpu.memref_squeeze %get3A_424 : memref<1x1x128xf32, #tpu.memory_space<vmem>> -> memref<128xf32, #tpu.memory_space<vmem>>
      %get3A_426 = arith.constant 48 : index
      %get3A_427 = tpu.vector_load %get3A_425[%get3A_426] {strides = array<i32>} : memref<128xf32, #tpu.memory_space<vmem>>, vector<16xf32>,
      %get3A_428 = vector.shape_cast %get3A_427 : vector<16xf32> to vector<16xf32>
      %get3A_429 = arith.constant 0 : i32
      %get3A_430 = arith.constant 0 : i32
      %get3A_431 = tpu.memref_slice %arg13[%get3A_429, %scan3A_332, %get3A_430] : memref<2x128x128xf32, #tpu.memory_space<vmem>> -> memref<1x1x128xf32, #tpu.memory_space<vmem>>
      %get3A_432 = tpu.memref_squeeze %get3A_431 : memref<1x1x128xf32, #tpu.memory_space<vmem>> -> memref<128xf32, #tpu.memory_space<vmem>>
      %get3A_433 = arith.constant 48 : index
      %get3A_434 = tpu.vector_load %get3A_432[%get3A_433] {strides = array<i32>} : memref<128xf32, #tpu.memory_space<vmem>>, vector<16xf32>,
      %get3A_435 = vector.shape_cast %get3A_434 : vector<16xf32> to vector<16xf32>
      %get3A_436 = arith.constant 0 : i32
      %get3A_437 = arith.constant 0 : i32
      %get3A_438 = tpu.memref_slice %arg14[%get3A_436, %scan3A_332, %get3A_437] : memref<2x128x128xf32, #tpu.memory_space<vmem>> -> memref<1x1x128xf32, #tpu.memory_space<vmem>>
      %get3A_439 = tpu.memref_squeeze %get3A_438 : memref<1x1x128xf32, #tpu.memory_space<vmem>> -> memref<128xf32, #tpu.memory_space<vmem>>
      %get3A_440 = arith.constant 48 : index
      %get3A_441 = tpu.vector_load %get3A_439[%get3A_440] {strides = array<i32>} : memref<128xf32, #tpu.memory_space<vmem>>, vector<16xf32>,
      %get3A_442 = vector.shape_cast %get3A_441 : vector<16xf32> to vector<16xf32>
      %sub3A_443 = arith.subf %get3A_435, %get3A_442 : vector<16xf32>
      %mul3A_444 = arith.mulf %get3A_428, %sub3A_443 : vector<16xf32>
      %add3A_445 = arith.addf %add3A_415, %mul3A_444 : vector<16xf32>
      %mul3A_446 = arith.mulf %get3A_428, %get3A_428 : vector<16xf32>
      %add3A_447 = arith.addf %add3A_421, %mul3A_446 : vector<16xf32>
      %mul3A_448 = arith.mulf %get3A_435, %get3A_435 : vector<16xf32>
      %add3A_449 = arith.addf %add3A_447, %mul3A_448 : vector<16xf32>
      %mul3A_450 = arith.mulf %get3A_442, %get3A_442 : vector<16xf32>
      %add3A_451 = arith.addf %add3A_449, %mul3A_450 : vector<16xf32>
      %add3A_452 = arith.constant 256 : i32
      %add3A_453 = arith.addi %add3A_452, %scan3A_332 : i32
      %mul3A_454 = arith.constant 16 : i32
      %mul3A_455 = arith.muli %add3A_453, %mul3A_454 : i32
      %swap3A_456 = arith.index_cast %mul3A_455 : i32 to index
      %swap3A_457 = tpu.vector_load %arg15[%swap3A_456] {strides = array<i32>} : memref<8192xf32, #tpu.memory_space<vmem>>, vector<16xf32>,
      %swap3A_458 = vector.shape_cast %swap3A_457 : vector<16xf32> to vector<16xf32>
      %swap3A_459 = vector.shape_cast %add3A_445 : vector<16xf32> to vector<16xf32>
      tpu.vector_store %arg15[%swap3A_456], %swap3A_459 {strides = array<i32>} : memref<8192xf32, #tpu.memory_space<vmem>>, vector<16xf32>,
      scf.yield %add3A_451 : vector<16xf32>
    }
    %scan3A_273 = arith.constant 128 : i32
    %dma_wait3A_274 = arith.constant 0 : i32
    %dma_wait3A_275 = arith.constant 0 : i32
    %dma_wait3A_276 = arith.constant 0 : i32
    %dma_wait3A_277 = tpu.memref_slice %arg12[%dma_wait3A_274, %dma_wait3A_275, %dma_wait3A_276] : memref<2x128x128xf32, #tpu.memory_space<vmem>> -> memref<1x128x128xf32, #tpu.memory_space<vmem>>
    %dma_wait3A_278 = tpu.memref_squeeze %dma_wait3A_277 : memref<1x128x128xf32, #tpu.memory_space<vmem>> -> memref<128x128xf32, #tpu.memory_space<vmem>>
    %dma_wait3A_279 = arith.constant 0 : i32
    %dma_wait3A_280 = arith.constant 0 : i32
    %dma_wait3A_281 = tpu.memref_slice %arg5[%dma_wait3A_279, %dma_wait3A_280] : memref<1000000x128xf32, #tpu.memory_space<hbm>> -> memref<128x128xf32, #tpu.memory_space<hbm>>
    %dma_wait3A_282 = arith.constant 0 : i32
    %dma_wait3A_283 = arith.constant 0 : i32
    %dma_wait3A_284 = tpu.memref_slice %arg12[%dma_wait3A_274, %dma_wait3A_282, %dma_wait3A_283] : memref<2x128x128xf32, #tpu.memory_space<vmem>> -> memref<1x128x128xf32, #tpu.memory_space<vmem>>
    %dma_wait3A_285 = tpu.memref_squeeze %dma_wait3A_284 : memref<1x128x128xf32, #tpu.memory_space<vmem>> -> memref<128x128xf32, #tpu.memory_space<vmem>>
    %dma_wait3A_286 = arith.constant 0 : i32
    %dma_wait3A_287 = arith.constant 0 : i32
    %dma_wait3A_288 = tpu.memref_slice %arg5[%dma_wait3A_286, %dma_wait3A_287] : memref<1000000x128xf32, #tpu.memory_space<hbm>> -> memref<128x128xf32, #tpu.memory_space<hbm>>
    tpu.wait_dma2 semaphore(%arg17 : memref<!tpu.dma_semaphore, #tpu.memory_space<semaphore_mem>>) src(%dma_wait3A_288 : memref<128x128xf32, #tpu.memory_space<hbm>>) dst(%dma_wait3A_285 : memref<128x128xf32, #tpu.memory_space<vmem>>)
    %dma_wait3A_289 = arith.constant 0 : i32
    %dma_wait3A_290 = arith.constant 0 : i32
    %dma_wait3A_291 = arith.constant 0 : i32
    %dma_wait3A_292 = tpu.memref_slice %arg13[%dma_wait3A_289, %dma_wait3A_290, %dma_wait3A_291] : memref<2x128x128xf32, #tpu.memory_space<vmem>> -> memref<1x128x128xf32, #tpu.memory_space<vmem>>
    %dma_wait3A_293 = tpu.memref_squeeze %dma_wait3A_292 : memref<1x128x128xf32, #tpu.memory_space<vmem>> -> memref<128x128xf32, #tpu.memory_space<vmem>>
    %dma_wait3A_294 = arith.constant 0 : i32
    %dma_wait3A_295 = arith.constant 0 : i32
    %dma_wait3A_296 = tpu.memref_slice %arg6[%dma_wait3A_294, %dma_wait3A_295] : memref<1000000x128xf32, #tpu.memory_space<hbm>> -> memref<128x128xf32, #tpu.memory_space<hbm>>
    %dma_wait3A_297 = arith.constant 0 : i32
    %dma_wait3A_298 = arith.constant 0 : i32
    %dma_wait3A_299 = tpu.memref_slice %arg13[%dma_wait3A_289, %dma_wait3A_297, %dma_wait3A_298] : memref<2x128x128xf32, #tpu.memory_space<vmem>> -> memref<1x128x128xf32, #tpu.memory_space<vmem>>
    %dma_wait3A_300 = tpu.memref_squeeze %dma_wait3A_299 : memref<1x128x128xf32, #tpu.memory_space<vmem>> -> memref<128x128xf32, #tpu.memory_space<vmem>>
    %dma_wait3A_301 = arith.constant 0 : i32
    %dma_wait3A_302 = arith.constant 0 : i32
    %dma_wait3A_303 = tpu.memref_slice %arg6[%dma_wait3A_301, %dma_wait3A_302] : memref<1000000x128xf32, #tpu.memory_space<hbm>> -> memref<128x128xf32, #tpu.memory_space<hbm>>
    tpu.wait_dma2 semaphore(%arg17 : memref<!tpu.dma_semaphore, #tpu.memory_space<semaphore_mem>>) src(%dma_wait3A_303 : memref<128x128xf32, #tpu.memory_space<hbm>>) dst(%dma_wait3A_300 : memref<128x128xf32, #tpu.memory_space<vmem>>)
    %dma_wait3A_304 = arith.constant 0 : i32
    %dma_wait3A_305 = arith.constant 0 : i32
    %dma_wait3A_306 = arith.constant 0 : i32
    %dma_wait3A_307 = tpu.memref_slice %arg14[%dma_wait3A_304, %dma_wait3A_305, %dma_wait3A_306] : memref<2x128x128xf32, #tpu.memory_space<vmem>> -> memref<1x128x128xf32, #tpu.memory_space<vmem>>
    %dma_wait3A_308 = tpu.memref_squeeze %dma_wait3A_307 : memref<1x128x128xf32, #tpu.memory_space<vmem>> -> memref<128x128xf32, #tpu.memory_space<vmem>>
    %dma_wait3A_309 = arith.constant 0 : i32
    %dma_wait3A_310 = arith.constant 0 : i32
    %dma_wait3A_311 = tpu.memref_slice %arg6[%dma_wait3A_309, %dma_wait3A_310] : memref<1000000x128xf32, #tpu.memory_space<hbm>> -> memref<128x128xf32, #tpu.memory_space<hbm>>
    %dma_wait3A_312 = arith.constant 0 : i32
    %dma_wait3A_313 = arith.constant 0 : i32
    %dma_wait3A_314 = tpu.memref_slice %arg14[%dma_wait3A_304, %dma_wait3A_312, %dma_wait3A_313] : memref<2x128x128xf32, #tpu.memory_space<vmem>> -> memref<1x128x128xf32, #tpu.memory_space<vmem>>
    %dma_wait3A_315 = tpu.memref_squeeze %dma_wait3A_314 : memref<1x128x128xf32, #tpu.memory_space<vmem>> -> memref<128x128xf32, #tpu.memory_space<vmem>>
    %dma_wait3A_316 = arith.constant 0 : i32
    %dma_wait3A_317 = arith.constant 0 : i32
    %dma_wait3A_318 = tpu.memref_slice %arg6[%dma_wait3A_316, %dma_wait3A_317] : memref<1000000x128xf32, #tpu.memory_space<hbm>> -> memref<128x128xf32, #tpu.memory_space<hbm>>
    tpu.wait_dma2 semaphore(%arg17 : memref<!tpu.dma_semaphore, #tpu.memory_space<semaphore_mem>>) src(%dma_wait3A_318 : memref<128x128xf32, #tpu.memory_space<hbm>>) dst(%dma_wait3A_315 : memref<128x128xf32, #tpu.memory_space<vmem>>)
    %scan3A_319 = arith.constant 0 : i32
    %scan3A_320 = arith.constant 128 : i32
    %scan3A_321 = arith.addi %scan3A_319, %scan3A_320 : i32
    %scan3A_322 = arith.constant 1 : i32
    %scan3A_323 = scf.for %scan3A_332 = %scan3A_319 to %scan3A_321 step %scan3A_322 iter_args(%scan3A_333 = %scan3A_272) -> (vector<16xf32>)  : i32 {
      %get3A = arith.constant 1 : i32
      %get3A_334 = arith.constant 0 : i32
      %get3A_335 = tpu.memref_slice %arg12[%get3A, %scan3A_332, %get3A_334] : memref<2x128x128xf32, #tpu.memory_space<vmem>> -> memref<1x1x128xf32, #tpu.memory_space<vmem>>
      %get3A_336 = tpu.memref_squeeze %get3A_335 : memref<1x1x128xf32, #tpu.memory_space<vmem>> -> memref<128xf32, #tpu.memory_space<vmem>>
      %get3A_337 = arith.constant 0 : index
      %get3A_338 = tpu.vector_load %get3A_336[%get3A_337] {strides = array<i32>} : memref<128xf32, #tpu.memory_space<vmem>>, vector<16xf32>,
      %get3A_339 = vector.shape_cast %get3A_338 : vector<16xf32> to vector<16xf32>
      %get3A_340 = arith.constant 1 : i32
      %get3A_341 = arith.constant 0 : i32
      %get3A_342 = tpu.memref_slice %arg13[%get3A_340, %scan3A_332, %get3A_341] : memref<2x128x128xf32, #tpu.memory_space<vmem>> -> memref<1x1x128xf32, #tpu.memory_space<vmem>>
      %get3A_343 = tpu.memref_squeeze %get3A_342 : memref<1x1x128xf32, #tpu.memory_space<vmem>> -> memref<128xf32, #tpu.memory_space<vmem>>
      %get3A_344 = arith.constant 0 : index
      %get3A_345 = tpu.vector_load %get3A_343[%get3A_344] {strides = array<i32>} : memref<128xf32, #tpu.memory_space<vmem>>, vector<16xf32>,
      %get3A_346 = vector.shape_cast %get3A_345 : vector<16xf32> to vector<16xf32>
      %get3A_347 = arith.constant 1 : i32
      %get3A_348 = arith.constant 0 : i32
      %get3A_349 = tpu.memref_slice %arg14[%get3A_347, %scan3A_332, %get3A_348] : memref<2x128x128xf32, #tpu.memory_space<vmem>> -> memref<1x1x128xf32, #tpu.memory_space<vmem>>
      %get3A_350 = tpu.memref_squeeze %get3A_349 : memref<1x1x128xf32, #tpu.memory_space<vmem>> -> memref<128xf32, #tpu.memory_space<vmem>>
      %get3A_351 = arith.constant 0 : index
      %get3A_352 = tpu.vector_load %get3A_350[%get3A_351] {strides = array<i32>} : memref<128xf32, #tpu.memory_space<vmem>>, vector<16xf32>,
      %get3A_353 = vector.shape_cast %get3A_352 : vector<16xf32> to vector<16xf32>
      %sub3A = arith.subf %get3A_346, %get3A_353 : vector<16xf32>
      %mul3A_354 = arith.mulf %get3A_339, %sub3A : vector<16xf32>
      %add3A_355 = arith.addf %broadcast_in_dim3A_32, %mul3A_354 : vector<16xf32>
      %mul3A_356 = arith.mulf %get3A_339, %get3A_339 : vector<16xf32>
      %add3A_357 = arith.addf %scan3A_333, %mul3A_356 : vector<16xf32>
      %mul3A_358 = arith.mulf %get3A_346, %get3A_346 : vector<16xf32>
      %add3A_359 = arith.addf %add3A_357, %mul3A_358 : vector<16xf32>
      %mul3A_360 = arith.mulf %get3A_353, %get3A_353 : vector<16xf32>
      %add3A_361 = arith.addf %add3A_359, %mul3A_360 : vector<16xf32>
      %get3A_362 = arith.constant 1 : i32
      %get3A_363 = arith.constant 0 : i32
      %get3A_364 = tpu.memref_slice %arg12[%get3A_362, %scan3A_332, %get3A_363] : memref<2x128x128xf32, #tpu.memory_space<vmem>> -> memref<1x1x128xf32, #tpu.memory_space<vmem>>
      %get3A_365 = tpu.memref_squeeze %get3A_364 : memref<1x1x128xf32, #tpu.memory_space<vmem>> -> memref<128xf32, #tpu.memory_space<vmem>>
      %get3A_366 = arith.constant 16 : index
      %get3A_367 = tpu.vector_load %get3A_365[%get3A_366] {strides = array<i32>} : memref<128xf32, #tpu.memory_space<vmem>>, vector<16xf32>,
      %get3A_368 = vector.shape_cast %get3A_367 : vector<16xf32> to vector<16xf32>
      %get3A_369 = arith.constant 1 : i32
      %get3A_370 = arith.constant 0 : i32
      %get3A_371 = tpu.memref_slice %arg13[%get3A_369, %scan3A_332, %get3A_370] : memref<2x128x128xf32, #tpu.memory_space<vmem>> -> memref<1x1x128xf32, #tpu.memory_space<vmem>>
      %get3A_372 = tpu.memref_squeeze %get3A_371 : memref<1x1x128xf32, #tpu.memory_space<vmem>> -> memref<128xf32, #tpu.memory_space<vmem>>
      %get3A_373 = arith.constant 16 : index
      %get3A_374 = tpu.vector_load %get3A_372[%get3A_373] {strides = array<i32>} : memref<128xf32, #tpu.memory_space<vmem>>, vector<16xf32>,
      %get3A_375 = vector.shape_cast %get3A_374 : vector<16xf32> to vector<16xf32>
      %get3A_376 = arith.constant 1 : i32
      %get3A_377 = arith.constant 0 : i32
      %get3A_378 = tpu.memref_slice %arg14[%get3A_376, %scan3A_332, %get3A_377] : memref<2x128x128xf32, #tpu.memory_space<vmem>> -> memref<1x1x128xf32, #tpu.memory_space<vmem>>
      %get3A_379 = tpu.memref_squeeze %get3A_378 : memref<1x1x128xf32, #tpu.memory_space<vmem>> -> memref<128xf32, #tpu.memory_space<vmem>>
      %get3A_380 = arith.constant 16 : index
      %get3A_381 = tpu.vector_load %get3A_379[%get3A_380] {strides = array<i32>} : memref<128xf32, #tpu.memory_space<vmem>>, vector<16xf32>,
      %get3A_382 = vector.shape_cast %get3A_381 : vector<16xf32> to vector<16xf32>
      %sub3A_383 = arith.subf %get3A_375, %get3A_382 : vector<16xf32>
      %mul3A_384 = arith.mulf %get3A_368, %sub3A_383 : vector<16xf32>
      %add3A_385 = arith.addf %add3A_355, %mul3A_384 : vector<16xf32>
      %mul3A_386 = arith.mulf %get3A_368, %get3A_368 : vector<16xf32>
      %add3A_387 = arith.addf %add3A_361, %mul3A_386 : vector<16xf32>
      %mul3A_388 = arith.mulf %get3A_375, %get3A_375 : vector<16xf32>
      %add3A_389 = arith.addf %add3A_387, %mul3A_388 : vector<16xf32>
      %mul3A_390 = arith.mulf %get3A_382, %get3A_382 : vector<16xf32>
      %add3A_391 = arith.addf %add3A_389, %mul3A_390 : vector<16xf32>
      %get3A_392 = arith.constant 1 : i32
      %get3A_393 = arith.constant 0 : i32
      %get3A_394 = tpu.memref_slice %arg12[%get3A_392, %scan3A_332, %get3A_393] : memref<2x128x128xf32, #tpu.memory_space<vmem>> -> memref<1x1x128xf32, #tpu.memory_space<vmem>>
      %get3A_395 = tpu.memref_squeeze %get3A_394 : memref<1x1x128xf32, #tpu.memory_space<vmem>> -> memref<128xf32, #tpu.memory_space<vmem>>
      %get3A_396 = arith.constant 32 : index
      %get3A_397 = tpu.vector_load %get3A_395[%get3A_396] {strides = array<i32>} : memref<128xf32, #tpu.memory_space<vmem>>, vector<16xf32>,
      %get3A_398 = vector.shape_cast %get3A_397 : vector<16xf32> to vector<16xf32>
      %get3A_399 = arith.constant 1 : i32
      %get3A_400 = arith.constant 0 : i32
      %get3A_401 = tpu.memref_slice %arg13[%get3A_399, %scan3A_332, %get3A_400] : memref<2x128x128xf32, #tpu.memory_space<vmem>> -> memref<1x1x128xf32, #tpu.memory_space<vmem>>
      %get3A_402 = tpu.memref_squeeze %get3A_401 : memref<1x1x128xf32, #tpu.memory_space<vmem>> -> memref<128xf32, #tpu.memory_space<vmem>>
      %get3A_403 = arith.constant 32 : index
      %get3A_404 = tpu.vector_load %get3A_402[%get3A_403] {strides = array<i32>} : memref<128xf32, #tpu.memory_space<vmem>>, vector<16xf32>,
      %get3A_405 = vector.shape_cast %get3A_404 : vector<16xf32> to vector<16xf32>
      %get3A_406 = arith.constant 1 : i32
      %get3A_407 = arith.constant 0 : i32
      %get3A_408 = tpu.memref_slice %arg14[%get3A_406, %scan3A_332, %get3A_407] : memref<2x128x128xf32, #tpu.memory_space<vmem>> -> memref<1x1x128xf32, #tpu.memory_space<vmem>>
      %get3A_409 = tpu.memref_squeeze %get3A_408 : memref<1x1x128xf32, #tpu.memory_space<vmem>> -> memref<128xf32, #tpu.memory_space<vmem>>
      %get3A_410 = arith.constant 32 : index
      %get3A_411 = tpu.vector_load %get3A_409[%get3A_410] {strides = array<i32>} : memref<128xf32, #tpu.memory_space<vmem>>, vector<16xf32>,
      %get3A_412 = vector.shape_cast %get3A_411 : vector<16xf32> to vector<16xf32>
      %sub3A_413 = arith.subf %get3A_405, %get3A_412 : vector<16xf32>
      %mul3A_414 = arith.mulf %get3A_398, %sub3A_413 : vector<16xf32>
      %add3A_415 = arith.addf %add3A_385, %mul3A_414 : vector<16xf32>
      %mul3A_416 = arith.mulf %get3A_398, %get3A_398 : vector<16xf32>
      %add3A_417 = arith.addf %add3A_391, %mul3A_416 : vector<16xf32>
      %mul3A_418 = arith.mulf %get3A_405, %get3A_405 : vector<16xf32>
      %add3A_419 = arith.addf %add3A_417, %mul3A_418 : vector<16xf32>
      %mul3A_420 = arith.mulf %get3A_412, %get3A_412 : vector<16xf32>
      %add3A_421 = arith.addf %add3A_419, %mul3A_420 : vector<16xf32>
      %get3A_422 = arith.constant 1 : i32
      %get3A_423 = arith.constant 0 : i32
      %get3A_424 = tpu.memref_slice %arg12[%get3A_422, %scan3A_332, %get3A_423] : memref<2x128x128xf32, #tpu.memory_space<vmem>> -> memref<1x1x128xf32, #tpu.memory_space<vmem>>
      %get3A_425 = tpu.memref_squeeze %get3A_424 : memref<1x1x128xf32, #tpu.memory_space<vmem>> -> memref<128xf32, #tpu.memory_space<vmem>>
      %get3A_426 = arith.constant 48 : index
      %get3A_427 = tpu.vector_load %get3A_425[%get3A_426] {strides = array<i32>} : memref<128xf32, #tpu.memory_space<vmem>>, vector<16xf32>,
      %get3A_428 = vector.shape_cast %get3A_427 : vector<16xf32> to vector<16xf32>
      %get3A_429 = arith.constant 1 : i32
      %get3A_430 = arith.constant 0 : i32
      %get3A_431 = tpu.memref_slice %arg13[%get3A_429, %scan3A_332, %get3A_430] : memref<2x128x128xf32, #tpu.memory_space<vmem>> -> memref<1x1x128xf32, #tpu.memory_space<vmem>>
      %get3A_432 = tpu.memref_squeeze %get3A_431 : memref<1x1x128xf32, #tpu.memory_space<vmem>> -> memref<128xf32, #tpu.memory_space<vmem>>
      %get3A_433 = arith.constant 48 : index
      %get3A_434 = tpu.vector_load %get3A_432[%get3A_433] {strides = array<i32>} : memref<128xf32, #tpu.memory_space<vmem>>, vector<16xf32>,
      %get3A_435 = vector.shape_cast %get3A_434 : vector<16xf32> to vector<16xf32>
      %get3A_436 = arith.constant 1 : i32
      %get3A_437 = arith.constant 0 : i32
      %get3A_438 = tpu.memref_slice %arg14[%get3A_436, %scan3A_332, %get3A_437] : memref<2x128x128xf32, #tpu.memory_space<vmem>> -> memref<1x1x128xf32, #tpu.memory_space<vmem>>
      %get3A_439 = tpu.memref_squeeze %get3A_438 : memref<1x1x128xf32, #tpu.memory_space<vmem>> -> memref<128xf32, #tpu.memory_space<vmem>>
      %get3A_440 = arith.constant 48 : index
      %get3A_441 = tpu.vector_load %get3A_439[%get3A_440] {strides = array<i32>} : memref<128xf32, #tpu.memory_space<vmem>>, vector<16xf32>,
      %get3A_442 = vector.shape_cast %get3A_441 : vector<16xf32> to vector<16xf32>
      %sub3A_443 = arith.subf %get3A_435, %get3A_442 : vector<16xf32>
      %mul3A_444 = arith.mulf %get3A_428, %sub3A_443 : vector<16xf32>
      %add3A_445 = arith.addf %add3A_415, %mul3A_444 : vector<16xf32>
      %mul3A_446 = arith.mulf %get3A_428, %get3A_428 : vector<16xf32>
      %add3A_447 = arith.addf %add3A_421, %mul3A_446 : vector<16xf32>
      %mul3A_448 = arith.mulf %get3A_435, %get3A_435 : vector<16xf32>
      %add3A_449 = arith.addf %add3A_447, %mul3A_448 : vector<16xf32>
      %mul3A_450 = arith.mulf %get3A_442, %get3A_442 : vector<16xf32>
      %add3A_451 = arith.addf %add3A_449, %mul3A_450 : vector<16xf32>
      %add3A_452 = arith.constant 384 : i32
      %add3A_453 = arith.addi %add3A_452, %scan3A_332 : i32
      %mul3A_454 = arith.constant 16 : i32
      %mul3A_455 = arith.muli %add3A_453, %mul3A_454 : i32
      %swap3A_456 = arith.index_cast %mul3A_455 : i32 to index
      %swap3A_457 = tpu.vector_load %arg15[%swap3A_456] {strides = array<i32>} : memref<8192xf32, #tpu.memory_space<vmem>>, vector<16xf32>,
      %swap3A_458 = vector.shape_cast %swap3A_457 : vector<16xf32> to vector<16xf32>
      %swap3A_459 = vector.shape_cast %add3A_445 : vector<16xf32> to vector<16xf32>
      tpu.vector_store %arg15[%swap3A_456], %swap3A_459 {strides = array<i32>} : memref<8192xf32, #tpu.memory_space<vmem>>, vector<16xf32>,
      scf.yield %add3A_451 : vector<16xf32>
    }
    %scan3A_324 = arith.constant 128 : i32
    %swap3A = arith.constant 0 : index
    %swap3A_325 = tpu.vector_load %arg16[%swap3A] {strides = array<i32>} : memref<16xf32, #tpu.memory_space<vmem>>, vector<16xf32>,
    %swap3A_326 = vector.shape_cast %swap3A_325 : vector<16xf32> to vector<16xf32>
    %swap3A_327 = vector.shape_cast %scan3A_323 : vector<16xf32> to vector<16xf32>
    tpu.vector_store %arg16[%swap3A], %swap3A_327 {strides = array<i32>} : memref<16xf32, #tpu.memory_space<vmem>>, vector<16xf32>,
    %mul3A_328 = arith.constant 16 : i32
    %mul3A_329 = arith.muli %mul3A_2, %mul3A_328 : i32
    "tpu.region"() ({
      %run_scoped3A = tpu.sem_alloc : memref<!tpu.dma_semaphore, #tpu.memory_space<semaphore_mem>>
      %dma_start3A_332 = tpu.memref_slice %arg7[%mul3A_329] : memref<262144xf32, #tpu.memory_space<hbm>> -> memref<8192xf32, #tpu.memory_space<hbm>>
      %dma_start3A_333 = tpu.memref_slice %arg7[%mul3A_329] : memref<262144xf32, #tpu.memory_space<hbm>> -> memref<8192xf32, #tpu.memory_space<hbm>>
      tpu.enqueue_dma source(%arg15 : memref<8192xf32, #tpu.memory_space<vmem>>) target(%dma_start3A_333 : memref<8192xf32, #tpu.memory_space<hbm>>) target_semaphore(%run_scoped3A : memref<!tpu.dma_semaphore, #tpu.memory_space<semaphore_mem>>)
      %dma_wait3A_334 = tpu.memref_slice %arg7[%mul3A_329] : memref<262144xf32, #tpu.memory_space<hbm>> -> memref<8192xf32, #tpu.memory_space<hbm>>
      %dma_wait3A_335 = tpu.memref_slice %arg7[%mul3A_329] : memref<262144xf32, #tpu.memory_space<hbm>> -> memref<8192xf32, #tpu.memory_space<hbm>>
      tpu.wait_dma2 semaphore(%run_scoped3A : memref<!tpu.dma_semaphore, #tpu.memory_space<semaphore_mem>>) src(%arg15 : memref<8192xf32, #tpu.memory_space<vmem>>) dst(%dma_wait3A_335 : memref<8192xf32, #tpu.memory_space<hbm>>)
      tpu.yield
    }) : () -> ()
    %mul3A_330 = arith.constant 16 : i32
    %mul3A_331 = arith.muli %add3A, %mul3A_330 : i32
    "tpu.region"() ({
      %run_scoped3A = tpu.sem_alloc : memref<!tpu.dma_semaphore, #tpu.memory_space<semaphore_mem>>
      %dma_start3A_332 = tpu.memref_slice %arg8[%mul3A_331] : memref<512xf32, #tpu.memory_space<hbm>> -> memref<16xf32, #tpu.memory_space<hbm>>
      %dma_start3A_333 = tpu.memref_slice %arg8[%mul3A_331] : memref<512xf32, #tpu.memory_space<hbm>> -> memref<16xf32, #tpu.memory_space<hbm>>
      tpu.enqueue_dma source(%arg16 : memref<16xf32, #tpu.memory_space<vmem>>) target(%dma_start3A_333 : memref<16xf32, #tpu.memory_space<hbm>>) target_semaphore(%run_scoped3A : memref<!tpu.dma_semaphore, #tpu.memory_space<semaphore_mem>>)
      %dma_wait3A_334 = tpu.memref_slice %arg8[%mul3A_331] : memref<512xf32, #tpu.memory_space<hbm>> -> memref<16xf32, #tpu.memory_space<hbm>>
      %dma_wait3A_335 = tpu.memref_slice %arg8[%mul3A_331] : memref<512xf32, #tpu.memory_space<hbm>> -> memref<16xf32, #tpu.memory_space<hbm>>
      tpu.wait_dma2 semaphore(%run_scoped3A : memref<!tpu.dma_semaphore, #tpu.memory_space<semaphore_mem>>) src(%arg16 : memref<16xf32, #tpu.memory_space<vmem>>) dst(%dma_wait3A_335 : memref<16xf32, #tpu.memory_space<hbm>>)
      tpu.yield
    }) : () -> ()
    return
  }
}

module attributes {stable_mosaic.version = 14 : i64} {
  func.func @_tc_reduce(%arg0: memref<2048x128xf32, #tpu.memory_space<vmem>>, %arg1: memref<4x128xf32, #tpu.memory_space<vmem>>, %arg2: memref<1x1xf32, #tpu.memory_space<smem>>) attributes {dimension_semantics = [], scalar_prefetch = 0 : i64, scratch_operands = 0 : i64, tpu.core_type = #tpu.core_type<tc>} {
    %get3A = arith.constant 0 : index
    %get3A_0 = arith.constant 0 : index
    %get3A_1 = vector.load %arg0[%get3A, %get3A_0] : memref<2048x128xf32, #tpu.memory_space<vmem>>, vector<2048x128xf32>
    %iota3A = tpu.iota {dimensions = array<i32: 0>} : vector<128x8xi32>
    %iota3A_2 = tpu.iota {dimensions = array<i32: 1>} : vector<128x8xi32>
    %jit3A = arith.constant 16 : i32
    %div3A = vector.broadcast %jit3A : i32 to vector<128x8xi32>
    %div3A_3 = arith.divsi %iota3A, %div3A : vector<128x8xi32>
    %sign3A = arith.constant 0 : i32
    %sign3A_4 = vector.broadcast %sign3A : i32 to vector<128x8xi32>
    %sign3A_5 = arith.cmpi sgt, %iota3A, %sign3A_4 : vector<128x8xi32>
    %sign3A_6 = arith.extui %sign3A_5 : vector<128x8xi1> to vector<128x8xi32>
    %sign3A_7 = arith.constant 0 : i32
    %sign3A_8 = vector.broadcast %sign3A_7 : i32 to vector<128x8xi32>
    %sign3A_9 = arith.cmpi slt, %iota3A, %sign3A_8 : vector<128x8xi32>
    %sign3A_10 = arith.extui %sign3A_9 : vector<128x8xi1> to vector<128x8xi32>
    %sign3A_11 = arith.subi %sign3A_6, %sign3A_10 : vector<128x8xi32>
    %sign3A_12 = arith.constant 0 : i32
    %sign3A_13 = arith.cmpi sgt, %jit3A, %sign3A_12 : i32
    %sign3A_14 = arith.extui %sign3A_13 : i1 to i32
    %sign3A_15 = arith.constant 0 : i32
    %sign3A_16 = arith.cmpi slt, %jit3A, %sign3A_15 : i32
    %sign3A_17 = arith.extui %sign3A_16 : i1 to i32
    %sign3A_18 = arith.subi %sign3A_14, %sign3A_17 : i32
    %ne3A = vector.broadcast %sign3A_18 : i32 to vector<128x8xi32>
    %ne3A_19 = arith.cmpi ne, %sign3A_11, %ne3A : vector<128x8xi32>
    %rem3A = vector.broadcast %jit3A : i32 to vector<128x8xi32>
    %rem3A_20 = arith.remsi %iota3A, %rem3A : vector<128x8xi32>
    %ne3A_21 = arith.constant 0 : i32
    %ne3A_22 = vector.broadcast %ne3A_21 : i32 to vector<128x8xi32>
    %ne3A_23 = arith.cmpi ne, %rem3A_20, %ne3A_22 : vector<128x8xi32>
    %and3A = arith.andi %ne3A_19, %ne3A_23 : vector<128x8xi1>
    %sub3A = arith.constant 1 : i32
    %sub3A_24 = vector.broadcast %sub3A : i32 to vector<128x8xi32>
    %sub3A_25 = arith.subi %div3A_3, %sub3A_24 : vector<128x8xi32>
    %select_n3A = arith.select %and3A, %sub3A_25, %div3A_3 : vector<128x8xi1>, vector<128x8xi32>
    %eq3A = arith.cmpi eq, %select_n3A, %iota3A_2 : vector<128x8xi32>
    %jit3A_26 = arith.constant 1.000000e+00 : f32
    %jit3A_27 = arith.constant 0.000000e+00 : f32
    %broadcast_in_dim3A = vector.broadcast %jit3A_26 : f32 to vector<128x8xf32>
    %broadcast_in_dim3A_28 = vector.broadcast %jit3A_27 : f32 to vector<128x8xf32>
    %select_n3A_29 = arith.select %eq3A, %broadcast_in_dim3A, %broadcast_in_dim3A_28 : vector<128x8xi1>, vector<128x8xf32>
    %dot_general3A = arith.constant dense<0.000000e+00> : vector<2048x8xf32>
    %dot_general3A_30 = tpu.matmul %get3A_1, %select_n3A_29, %dot_general3A {dimension_numbers = #tpu.dot_dimension_numbers<[1], [0], [0], [1], [0, 0, 1, 1], [], []>, transpose_lhs_hint = false} : vector<2048x128xf32>, vector<128x8xf32>, vector<2048x8xf32> -> vector<2048x8xf32>
    %min3A = arith.constant 0.000000e+00 : f32
    %min3A_31 = vector.broadcast %min3A : f32 to vector<2048x8xf32>
    %min3A_32 = arith.minimumf %dot_general3A_30, %min3A_31 : vector<2048x8xf32>
    %abs3A = math.absf %dot_general3A_30 : vector<2048x8xf32>
    %neg3A = arith.constant 0.000000e+00 : f32
    %neg3A_33 = vector.broadcast %neg3A : f32 to vector<2048x8xf32>
    %neg3A_34 = arith.subf %neg3A_33, %abs3A : vector<2048x8xf32>
    %exp3A = math.exp %neg3A_34 : vector<2048x8xf32>
    %log1p3A = math.log1p %exp3A : vector<2048x8xf32>
    %sub3A_35 = arith.subf %min3A_32, %log1p3A : vector<2048x8xf32>
    %reduce_sum3A = vector.shape_cast %sub3A_35 : vector<2048x8xf32> to vector<1x2048x8xf32>
    %reduce_sum3A_36 = arith.constant dense<0.000000e+00> : vector<1xf32>
    %reduce_sum3A_37 = vector.multi_reduction <add>, %reduce_sum3A, %reduce_sum3A_36 [1, 2] : vector<1x2048x8xf32> to vector<1xf32>
    %reduce_sum3A_38 = vector.shape_cast %reduce_sum3A_37 : vector<1xf32> to vector<1x1x1xf32>
    %reduce_sum3A_39 = vector.extract %reduce_sum3A_38[0, 0, 0] : f32 from vector<1x1x1xf32>
    %neg3A_40 = arith.constant 0.000000e+00 : f32
    %neg3A_41 = arith.subf %neg3A_40, %reduce_sum3A_39 : f32
    %get3A_42 = arith.constant 0 : index
    %get3A_43 = arith.constant 0 : index
    %get3A_44 = vector.load %arg1[%get3A_42, %get3A_43] : memref<4x128xf32, #tpu.memory_space<vmem>>, vector<4x128xf32>
    %reduce_sum3A_45 = vector.shape_cast %get3A_44 : vector<4x128xf32> to vector<1x4x128xf32>
    %reduce_sum3A_46 = arith.constant dense<0.000000e+00> : vector<1xf32>
    %reduce_sum3A_47 = vector.multi_reduction <add>, %reduce_sum3A_45, %reduce_sum3A_46 [1, 2] : vector<1x4x128xf32> to vector<1xf32>
    %reduce_sum3A_48 = vector.shape_cast %reduce_sum3A_47 : vector<1xf32> to vector<1x1x1xf32>
    %reduce_sum3A_49 = vector.extract %reduce_sum3A_48[0, 0, 0] : f32 from vector<1x1x1xf32>
    %mul3A = arith.constant 9.99999974E-5 : f32
    %mul3A_50 = arith.mulf %mul3A, %reduce_sum3A_49 : f32
    %add3A = arith.addf %neg3A_41, %mul3A_50 : f32
    %swap3A = arith.constant 0 : index
    %swap3A_51 = arith.constant 0 : index
    %swap3A_52 = memref.load %arg2[%swap3A, %swap3A_51] : memref<1x1xf32, #tpu.memory_space<smem>>
    memref.store %add3A, %arg2[%swap3A, %swap3A_51] : memref<1x1xf32, #tpu.memory_space<smem>>
    return
  }
}

</mosaic_0001>

<sc_bundles>
// kernel: kernel.4.cloned.1.call-start
scs
__scs_entry_jumppad:
0x0: {  	(pc) =	sbr.rel $0x88, $3  }
0x1: {  	(tag) =	ssettag $0x0;
	lr =	simm.s32 $0x1  }
0x2: {  	[smem:$0x3F9C] =	sst lr;
	_ =	strace $0xD0000000  }
0x3: {  	_ = 	snop  }
0x4: {  	_ = 	snop  }
0x5: {  	_ = 	snop  }
0x6: {  	_ = 	snop  }
0x7: {  	_ = 	snop  }
__scs_overlays_trampoline_lowered:
0x8: {  	[smem:$0x3FAB] =	sst s0  }
0x9: {  	[smem:$0x3FAC] =	sst s1  }
0xa: {  	[smem:$0x3FAD] =	sst s2  }
0xb: {  	[smem:$0x3FAE] =	sst s3  }
0xc: {  	[smem:$0x3FAF] =	sst s4  }
0xd: {  	[smem:$0x3FB0] =	sst s5  }
0xe: {  	[smem:$0x3FB1] =	sst s6  }
0xf: {  	[smem:$0x3FB2] =	sst s7  }
0x10: {  	[smem:$0x3FB3] =	sst s8  }
0x11: {  	[smem:$0x3FB4] =	sst s9;
	s0 =	simm.s32 @!p0 $0x0  }
0x12: {  	s1 =	sld [smem:$0x3F9A];
	s0 =	simm.s32 @p0 $0x1  }
0x13: {  	[smem:$0x3FB5] =	sst s0;
	s0 =	simm.s32 @!p1 $0x0  }
0x14: {  	s2 =	sld [smem:$0x3F99];
	s0 =	simm.s32 @p1 $0x1  }
0x15: {  	[smem:$0x3FB6] =	sst s0;
	s0 =	simm.s32 @!p2 $0x0  }
0x16: {  	s3 =	sld [smem:$0x3FDB];
	s0 =	simm.s32 @p2 $0x1  }
0x17: {  	s4 =	simm.s32 $0x1BF5;
	[smem:$0x3FB8] =	sst s0  }
0x18: {  	s0 =	sld [smem:$0x3F9B];
	_ =	swait.ge [sflag:s4], $0x0  }
0x19: {  	s7 =	sld [smem:$0x3F9C]  }
0x1a: {  	s8 =	sadd.s32 $0xFFFFE003, lr  }
0x1b: {  	s9 =	sadd.s32 $0xFFFFFEF7, lr;
	s5 =	simm.s32 $0xFFFFFFFF;
	p2 =	slt.u32 s8, $0xFFFFF086  }
0x1c: {  	p1 =	slt.u32 s9, $0xF7A;
	s5 =	simm.s32 @!p2 $0x0  }
0x1d: {  	s5 =	simm.s32 @p1 $0x1;
	p0 =	seq.s32 s7, s2  }
0x1e: {  	s7 =	smul.u32 @!p0 $0xF7A, s2;
	p2 =	seq.s32 @!p0 s5, $0x0  }
0x1f: {  	s9 =	smul.u32 $0xF7A, s1;
	s8 =	simm.s32 @!p0 $0x1BF5;
	p2 =	por !p2, p0  }
0x20: {  	[sflag:s8] =	ssyncset.s32 @!p0 $0xFFFFF086;
	s6 =	sadd.s32 @!p0 s3, s7;
	s7 =	simm.s32 @!p0 $0x108  }
0x21: {  	s3 =	sadd.s32 s3, s9;
	s6 =	sadd.s32 @!p0 $0x88, s6;
	s7 =	simm.s32 @p2 $0x1082  }
0x22: {  	[simem:s7], [sflag:s8] =	dma.local @!p0 [hbm:s6], $0xF7A  }
0x23: {  	s9 =	sor.u32 $0xD0000000, s2;
	s6 =	simm.s32 $0x108;
	_ =	swait.ge @!p0 [sflag:s8], $0x0  }
0x24: {  	s3 =	sadd.s32 $0x88, s3;
	s6 =	simm.s32 @!p1 $0x1082;
	[sflag:s4] =	ssyncset.s32 $0xFFFFF086  }
0x25: {  	[simem:s6], [sflag:s4] =	dma.local [hbm:s3], $0xF7A  }
0x26: {  	[smem:$0x3F9C] =	sst s1;
	(tag) =	ssettag s2;
	_ =	strace s9  }
0x27: {  	s1 =	sld [smem:$0x3FAC]  }
0x28: {  	s2 =	sld [smem:$0x3FAD]  }
0x29: {  	s4 =	sld [smem:$0x3FAF]  }
0x2a: {  	p0 =	seq.s32 s5, $0x0;
	s5 =	sld [smem:$0x3FB0]  }
0x2b: {  	s6 =	sld [smem:$0x3FB1]  }
0x2c: {  	s7 =	sld [smem:$0x3FB2]  }
0x2d: {  	s3 =	simm.s32 $0x108;
	s8 =	sld [smem:$0x3FB3]  }
0x2e: {  	s3 =	simm.s32 @!p0 $0x1082;
	s9 =	sld [smem:$0x3FB4]  }
0x2f: {  	lr =	sadd.s32 s0, s3;
	s0 =	sld [smem:$0x3FAB]  }
0x30: {  	s3 =	sld [smem:$0x3FAE]  }
0x31: {  	[smem:$0x3FB7] =	sst s10  }
0x32: {  	s10 =	sld [smem:$0x3FB5];
	_ =	sdelay $0x3  }
0x33: {  	p0 =	seq.s32 s10, $0x1;
	s10 =	sld [smem:$0x3FB7];
	_ =	sdelay $0x3  }
0x34: {  	[smem:$0x3FB7] =	sst s10  }
0x35: {  	s10 =	sld [smem:$0x3FB6];
	_ =	sdelay $0x3  }
0x36: {  	p1 =	seq.s32 s10, $0x1;
	s10 =	sld [smem:$0x3FB7];
	_ =	sdelay $0x3  }
0x37: {  	[smem:$0x3FB7] =	sst s10  }
0x38: {  	s10 =	sld [smem:$0x3FB8]  }
0x39: {  	_ = 	snop;
	(pc) =	sbr.ind lr, $3  }
0x3a: {  	_ = 	snop  }
0x3b: {  	_ = 	snop  }
0x3c: {  	p2 =	seq.s32 s10, $0x1;
	s10 =	sld [smem:$0x3FB7]  }
0x3d: {  	_ =	shalt  }
0x3e: {  	_ =	shalt  }
0x3f: {  	_ =	shalt  }
0x40: {  	_ =	shalt  }
0x41: {  	_ =	shalt  }
0x42: {  	_ =	shalt  }
0x43: {  	_ =	shalt  }
0x44: {  	_ =	shalt  }
0x45: {  	_ =	shalt  }
0x46: {  	_ =	shalt  }
0x47: {  	_ =	shalt  }
0x48: {  	_ =	shalt  }
0x49: {  	_ =	shalt  }
0x4a: {  	_ =	shalt  }
0x4b: {  	_ =	shalt  }
0x4c: {  	_ =	shalt  }
0x4d: {  	_ =	shalt  }
0x4e: {  	_ =	shalt  }
0x4f: {  	_ =	shalt  }
0x50: {  	_ =	shalt  }
0x51: {  	_ =	shalt  }
0x52: {  	_ =	shalt  }
0x53: {  	_ =	shalt  }
0x54: {  	_ =	shalt  }
0x55: {  	_ =	shalt  }
0x56: {  	_ =	shalt  }
0x57: {  	_ =	shalt  }
0x58: {  	_ =	shalt  }
0x59: {  	_ =	shalt  }
0x5a: {  	_ =	shalt  }
0x5b: {  	_ =	shalt  }
0x5c: {  	_ =	shalt  }
0x5d: {  	_ =	shalt  }
0x5e: {  	_ =	shalt  }
0x5f: {  	_ =	shalt  }
0x60: {  	_ =	shalt  }
0x61: {  	_ =	shalt  }
0x62: {  	_ =	shalt  }
0x63: {  	_ =	shalt  }
0x64: {  	_ =	shalt  }
0x65: {  	_ =	shalt  }
0x66: {  	_ =	shalt  }
0x67: {  	_ =	shalt  }
0x68: {  	_ =	shalt  }
0x69: {  	_ =	shalt  }
0x6a: {  	_ =	shalt  }
0x6b: {  	_ =	shalt  }
0x6c: {  	_ =	shalt  }
0x6d: {  	_ =	shalt  }
0x6e: {  	_ =	shalt  }
0x6f: {  	_ =	shalt  }
0x70: {  	_ =	shalt  }
0x71: {  	_ =	shalt  }
0x72: {  	_ =	shalt  }
0x73: {  	_ =	shalt  }
0x74: {  	_ =	shalt  }
0x75: {  	_ =	shalt  }
0x76: {  	_ =	shalt  }
0x77: {  	_ =	shalt  }
0x78: {  	_ =	shalt  }
0x79: {  	_ =	shalt  }
0x7a: {  	_ =	shalt  }
0x7b: {  	_ =	shalt  }
0x7c: {  	_ =	shalt  }
0x7d: {  	_ =	shalt  }
0x7e: {  	_ =	shalt  }
0x7f: {  	_ =	shalt  }
0x80: {  	_ =	shalt  }
0x81: {  	_ =	shalt  }
0x82: {  	_ =	shalt  }
0x83: {  	_ =	shalt  }
0x84: {  	_ =	shalt  }
0x85: {  	_ =	shalt  }
0x86: {  	_ =	shalt  }
0x87: {  	_ =	shalt  }
.Lfunc_end0:
.L_simem_size_0:
called_computation_lowered:
.L_overlay_start_0:
0x88: {  	s2 =	sld [smem:$0x3FD9]  }
0x89: {  	s3 =	sld [smem:$0x3FFE];
	_ =	sdelay $0x1  }
0x8a: {  	s1 =	srdreg.scid  }
0x8b: {  	s0 =	sand.u32 $0x1, s1  }
0x8c: {  	s17 =	sshll.u32 s0, $0xA;
	s2 =	sadd.s32 s3, s2  }
0x8d: {  	s2 =	sadd.s32 s2, s17  }
0x8e: {  	[smem:$0x3FC3] =	sst s2  }
0x8f: {  	_ = 	snop  }
0x90: {  	s2 =	sld [smem:$0x3FC9]  }
0x91: {  	s18 =	sld [smem:$0x3FC8]  }
0x92: {  	s4 =	sld [smem:$0x3FC7];
	(tm) =	ssettm $0x1  }
0x93: {  	s5 =	sld [smem:$0x3FFB];
	_ =	sdelay $0x3  }
0x94: {  	_ =	strace s5  }
0x95: {  	s5 =	sld [smem:$0x3FFC];
	_ =	sdelay $0x3  }
0x96: {  	_ =	strace s5  }
0x97: {  	s5 =	sld [smem:$0x3FFD];
	_ =	sdelay $0x3  }
0x98: {  	_ =	strace s5  }
0x99: {  	_ =	strace $0x8FFFFFFF  }
0x9a: {  	s19 =	sld [smem:$0x3FDB];
	_ =	sdelay $0x1  }
0x9b: {  	s6 =	simm.s32 $_scs_section_size  }
0x9c: {  	s7 =	simm.s32 $_size__tile_overlayer_lowered;
	s8 =	simm.s32 $_tile_overlayer_lowered  }
0x9d: {  	s22 =	simm.s32 $0x1BFF;
	s21 =	sshll.u32 s8, $0x1;
	s5 =	sadd.s32 s6, s19  }
0x9e: {  	s9 =	simm.s32 $0x0;
	s20 =	sshll.u32 s7, $0x1;
	s7 =	sadd.s32 s21, s5  }
0x9f: {  	[timem:s9], [sflag:s22] =	dma.local [hbm:s7], s20  }
0xa0: {  	_ =	swait.ge [sflag:s22], s20  }
0xa1: {  	s6 =	ssub.s32 $0x0, s20;
	[sflag:s22] =	ssyncset.done $0x0  }
0xa2: {  	[sflag:s22] =	ssyncadd.s32 s6;
	_ =	sdelay $0x1  }
0xa3: {  	s23 =	simm.s32 $0x1B8B  }
0xa4: {  	_ =	swait.ge [sflag:s23], $0x1  }
0xa5: {  	[sflag:s23] =	ssyncset.done $0x0  }
0xa6: {  	s25 =	simm.s32 $0x1B8E;
	s24 =	sld [smem:$0x3FFE];
	[sflag:s23] =	ssyncadd.s32 $0xFFFFFFFF  }
0xa7: {  	s26 =	simm.s32 $execute0_lowered;
	[smem:$0x3FD2] =	sst s25  }
0xa8: {  	s7 =	sshll.u32 s26, $0x1;
	_ =	strace $0x80000046;
	[dreg:$0x1] =	wrdreg $0xFFFFFFFF  }
0xa9: {  	s28 =	simm.s32 $_size_execute0_lowered;
	s5 =	sadd.s32 s5, s7;
	[dreg:$0x0] =	wrdreg $0x0  }
0xaa: {  	s7 =	sshll.u32 s28, $0x1;
	[dreg:$0x2] =	wrdreg s5  }
0xab: {  	[dreg:$0x3] =	wrdreg s7  }
0xac: {  	[dreg:$0x4] =	wrdreg $0xC0  }
0xad: {  	_ =	task [dreg:s9], $0x5FFFF  }
0xae: {  	[dreg:$0x1] =	wrdreg $0xFFFFFFFF  }
0xaf: {  	[dreg:$0x0] =	wrdreg $0x60  }
0xb0: {  	[dreg:$0x2] =	wrdreg s2  }
0xb1: {  	[dreg:$0x3] =	wrdreg s18  }
0xb2: {  	[dreg:$0x4] =	wrdreg s4  }
0xb3: {  	[dreg:$0x5] =	wrdreg s24  }
0xb4: {  	[dreg:$0x6] =	wrdreg $0x9  }
0xb5: {  	_ =	task.clear_ibuf [dreg:s9], $0x7FFFF;
	_ =	strace $0x90000046  }
0xb6: {  	s29 =	simm.s32 $0x9;
	_ =	strace $0x80000048  }
0xb7: {  	_ =	swait.ge [sflag:s29], $0x1  }
0xb8: {  	[sflag:s29] =	ssyncadd.s32 $0xFFFFFFFF  }
0xb9: {  	_ =	strace $0x90000048  }
0xba: {  	_ =	sfence  }
0xbb: {  	s30 =	sld [smem:$0x0];
	_ =	sdelay $0x2  }
0xbc: {  	s31 =	sshll.u32 s1, $0xD;
	s1 =	sshrl.u32 s1, $0x2  }
0xbd: {  	s3 =	sand.u32 $0x4000, s31;
	s1 =	sadd.s32 s1, s30  }
0xbe: {  	s0 =	sor.u32 s3, s0;
	s1 =	sshll.u32 s1, $0x11  }
0xbf: {  	s0 =	sor.u32 s1, s0  }
0xc0: {  	s0 =	sadd.s32 $0x8F2B, s0  }
0xc1: {  	[sflag:s0] =	ssyncadd.remote.s32 $0x1  }
0xc2: {  	_ =	sfence.sel $0xFFFF  }
0xc3: {  	[dreg:$0x0] =	wrdreg $0xFFFFFFFF;
	(pc) =	sbr.abs _section_cstart, $3  }
0xc4: {  	[dreg:$0x1] =	wrdreg $0xFFFFFFFF  }
0xc5: {  	_ =	task.clear_ibuf [dreg:s9], $0x2FFFF;
	_ =	strace $0x9FFFFFFF  }
0xc6: {  	(tm) =	ssettm $0x7FFFFFFF  }
0xc7: {  	_ =	shalt  }
tec
execute0_lowered:
.L_overlay_start_1:
0x0: {  	(tag) =	ssettag $0x1  }
0x1: {  	s0 =	rddreg [dreg:$0x0]  }
0x2: {  	s1 =	rddreg [dreg:$0x1]  }
0x3: {  	s7 =	rddreg [dreg:$0x2]  }
0x4: {  	s5 =	rddreg [dreg:$0x3]  }
0x5: {  	s2 =	simm.s32 $0x0;
	s3 =	srdreg.scid;
	s4 =	stileid.u32  }
0x6: {  	s12 =	simm.s32 $0x200;
	s13 =	simm.s32 $0x400;
	s14 =	simm.s32 $0x80  }
0x7: {  	s15 =	simm.s32 $0x600;
	s16 =	simm.s32 $0x8600;
	s17 =	simm.s32 $0x10600  }
0x8: {  	s18 =	simm.s32 $0x1;
	s19 =	simm.s32 $0x4600;
	s21 =	simm.s32 $0xC600  }
0x9: {  	s23 =	simm.s32 $0x14600;
	s30 =	simm.s32 $0x580;
	s31 =	simm.s32 $0x18600  }
0xa: {  	[smem:$0x7FF] =	sst s2;
	s6 =	sand.u32 $0x1, s3;
	s29 =	sshll.u32 s4, $0x1  }
0xb: {  	s3 =	sadd.s32 $0x1E85400, s5;
	s4 =	sadd.s32 $0xC00, s5;
	s8 =	sor.u32 s6, s29  }
0xc: {  	_ =	strace $0x80000047;
	s6 =	ssub.s32 $0x2, s6;
	s9 =	sshll.u32 s8, $0xA  }
0xd: {  	s10 =	sshll.u32 s8, $0x1;
	s11 =	sshrl.u32 s6, $0x1;
	s8 =	sshll.u32 s8, $0x6  }
0xe: {  	s9 =	sadd.s32 s9, s5;
	s10 =	sadd.s32 s10, s5;
	s11 =	ssub.s32 s6, s11  }
0xf: {  	s5 =	sadd.s32 s0, s8;
	s6 =	sadd.s32 s1, s8;
	s7 =	sadd.s32 s7, s8  }
0x10: {  	s0 =	simm.s32 $0x1A600;
	s1 =	simm.s32 $0x0;
	s8 =	sadd.s32 $0xF43000, s9  }
0x11: {  	s9 =	sadd.s32 $0xF4B000, s10;
	s10 =	smax.u32 s11, $0x1;
	s11 =	simm.s32 $0x2  }
.LBB2_1:
0x12: {  	[tilespmem:s2], [sflag:$0x2] =	stream.linear.gather [hbm4b:s5+s2], $0x200, $0x38;
	[tilespmem:$0x1A680] =	vst v63  }
0x13: {  	_ =	swait.ge [sflag:s11], $0x200  }
0x14: {  	[sflag:s11] =	ssyncset.done $0x0  }
0x15: {  	[sflag:s11] =	ssyncadd.s32 $0xFFFFFE00  }
0x16: {  	[tilespmem:s12], [sflag:$0x2] =	stream.linear.gather [hbm4b:s6+s2], $0x200, $0x38;
	[tilespmem:$0x1A680] =	vst v63  }
0x17: {  	_ =	swait.ge [sflag:s11], $0x200  }
0x18: {  	[sflag:s11] =	ssyncset.done $0x0  }
0x19: {  	[sflag:s11] =	ssyncadd.s32 $0xFFFFFE00  }
0x1a: {  	[tilespmem:s13], [sflag:$0x2] =	stream.linear.gather [hbm4b:s7+s2], $0x200, $0x38;
	[tilespmem:$0x1A680] =	vst v63  }
0x1b: {  	_ =	swait.ge [sflag:s11], $0x200  }
0x1c: {  	[sflag:s11] =	ssyncset.done $0x0  }
0x1d: {  	[sflag:s11] =	ssyncadd.s32 $0xFFFFFE00  }
0x1e: {  	[tilespmem:s15], [sflag:$0x1] =	stream.indirect.gather [hbm4b:s3+s14], $0x80, s2, s14, $0xb8;
	[tilespmem:$0x1A680] =	vst v63  }
0x1f: {  	_ = 	snop  }
0x20: {  	[tilespmem:s16], [sflag:$0x1] =	stream.indirect.gather [hbm4b:s4+s14], $0x80, s12, s14, $0xb8;
	[tilespmem:$0x1A680] =	vst v63  }
0x21: {  	_ = 	snop  }
0x22: {  	[tilespmem:s17], [sflag:$0x1] =	stream.indirect.gather [hbm4b:s4+s14], $0x80, s13, s14, $0xb8;
	[tilespmem:$0x1A680] =	vst v63  }
0x23: {  	_ =	swait.ge [sflag:s18], $0x4000  }
0x24: {  	[sflag:s18] =	ssyncset.done $0x0  }
0x25: {  	[sflag:s18] =	ssyncadd.s32 $0xFFFFC000  }
0x26: {  	_ =	swait.ge [sflag:s18], $0x4000  }
0x27: {  	[sflag:s18] =	ssyncset.done $0x0  }
0x28: {  	[sflag:s18] =	ssyncadd.s32 $0xFFFFC000  }
0x29: {  	_ =	swait.ge [sflag:s18], $0x4000  }
0x2a: {  	[sflag:s18] =	ssyncset.done $0x0  }
0x2b: {  	[sflag:s18] =	ssyncadd.s32 $0xFFFFC000  }
0x2c: {  	[tilespmem:s19], [sflag:$0x1] =	stream.indirect.gather [hbm4b:s3+s14], $0x80, s14, s14, $0xb8;
	[tilespmem:$0x1A680] =	vst v63  }
0x2d: {  	s20 =	simm.s32 $0x280  }
0x2e: {  	[tilespmem:s21], [sflag:$0x1] =	stream.indirect.gather [hbm4b:s4+s14], $0x80, s20, s14, $0xb8;
	[tilespmem:$0x1A680] =	vst v63  }
0x2f: {  	s29 =	simm.s32 $0x480;
	s22 =	simm.s32 $0x0  }
0x30: {  	[tilespmem:s23], [sflag:$0x1] =	stream.indirect.gather [hbm4b:s4+s14], $0x80, s29, s14, $0xb8;
	[tilespmem:$0x1A680] =	vst v63  }
0x31: {  	v3 =	vld [tilespmem:s22+$0x10620]  }
0x32: {  	v2 =	vld [tilespmem:s22+$0x8620]  }
0x33: {  	v4 =	vld [tilespmem:s22+$0x10610]  }
0x34: {  	v7 =	vld [tilespmem:s22+$0x600]  }
0x35: {  	v6 =	vld [tilespmem:s22+$0x8610]  }
0x36: {  	v12 =	vld [tilespmem:s22+$0x10600]  }
0x37: {  	v10 =	vld [tilespmem:s22+$0x8600]  }
0x38: {  	v5 =	vld [tilespmem:s22+$0x620]  }
0x39: {  	v0 =	vld [tilespmem:s22+$0x8630]  }
0x3a: {  	v13 =	vimm.f32 $0.0e+00;
	s25 =	simm.s32 $0x400;
	v8 =	vld [tilespmem:s22+$0x610];
	v9 =	vsub.f32 v2, v3  }
0x3b: {  	s26 =	simm.s32 $0x80;
	s24 =	simm.s32 $0x18600;
	s20 =	simm.s32 $0x18600;
	v1 =	vld [tilespmem:s22+$0x10630];
	v15 =	vmul.f32 v7, v7;
	v14 =	vsub.f32 v6, v4;
	v11 =	vmul.f32 v12, v12  }
.LBB2_2:
0x3c: {  	p0 =	sne.s32 s25, $0xFE00  }
0x3d: {  	v12 =	vsub.f32 v10, v12;
	v13 =	vadd.f32 v15, v13;
	v10 =	vmul.f32 v10, v10;
	s20 =	sadd.s32 $0x10, s20;
	s28 =	smov.u32 s25;
	s25 =	sadd.s32 $0x200, s25  }
0x3e: {  	_ = 	snop  }
0x3f: {  	v7 =	vmul.f32 v12, v7;
	v10 =	vadd.f32 v10, v13;
	v12 =	vld [tilespmem:s22+$0x630];
	s22 =	smov.u32 s26  }
0x40: {  	v13 =	vmul.f32 v14, v8  }
0x41: {  	v8 =	vmul.f32 v8, v8;
	v7 =	vadd.f32 $0.0e+00, v7;
	v10 =	vadd.f32 v11, v10  }
0x42: {  	v9 =	vmul.f32 v9, v5;
	v11 =	vsub.f32 v0, v1  }
0x43: {  	v6 =	vmul.f32 v6, v6;
	v7 =	vadd.f32 v13, v7;
	v8 =	vadd.f32 v8, v10  }
0x44: {  	v10 =	vmul.f32 v11, v12  }
0x45: {  	v4 =	vmul.f32 v4, v4;
	v6 =	vadd.f32 v6, v8;
	v7 =	vadd.f32 v9, v7;
	_ =	sdelay $0x1  }
0x46: {  	v5 =	vmul.f32 v5, v5;
	v4 =	vadd.f32 v4, v6;
	v6 =	vadd.f32 v10, v7;
	_ =	sdelay $0x1  }
0x47: {  	v4 =	vadd.f32 v5, v4;
	v5 =	vmul.f32 v2, v2;
	[tilespmem:s24+$0x0] =	vst v6;
	s24 =	smov.u32 s20  }
0x48: {  	v8 =	vld [tilespmem:s22+$0x10620]  }
0x49: {  	v3 =	vmul.f32 v3, v3;
	v2 =	vld [tilespmem:s22+$0x8620];
	v5 =	vadd.f32 v5, v4  }
0x4a: {  	v4 =	vld [tilespmem:s22+$0x10610]  }
0x4b: {  	v7 =	vld [tilespmem:s22+$0x600];
	v9 =	vadd.f32 v3, v5;
	v5 =	vmul.f32 v12, v12  }
0x4c: {  	v6 =	vld [tilespmem:s22+$0x8610]  }
0x4d: {  	s26 =	sshra.s32 s28, $0x2;
	v0 =	vmul.f32 v0, v0;
	v12 =	vld [tilespmem:s22+$0x10600];
	v11 =	vadd.f32 v5, v9;
	v3 =	vmov v8  }
.Ltmp0:
0x4e: {  	v10 =	vld [tilespmem:s22+$0x8600];
	v9 =	vsub.f32 v2, v3;
	(pc) =	sbr.rel @p0 .LBB2_2-.Ltmp0, $4  }
0x4f: {  	v1 =	vmul.f32 v1, v1;
	v5 =	vld [tilespmem:s22+$0x620];
	v11 =	vadd.f32 v0, v11  }
0x50: {  	v0 =	vld [tilespmem:s22+$0x8630]  }
0x51: {  	v15 =	vmul.f32 v7, v7;
	v8 =	vld [tilespmem:s22+$0x610];
	v14 =	vsub.f32 v6, v4;
	v13 =	vadd.f32 v1, v11  }
0x52: {  	v11 =	vmul.f32 v12, v12;
	v1 =	vld [tilespmem:s22+$0x10630]  }
0x53: {  	v12 =	vsub.f32 v10, v12;
	_ =	sdelay $0x1  }
0x54: {  	v7 =	vmul.f32 v12, v7  }
0x55: {  	v40 =	vld [tilespmem:s22+$0x630]  }
0x56: {  	v14 =	vmul.f32 v14, v8;
	v7 =	vadd.f32 $0.0e+00, v7;
	_ =	sdelay $0x1  }
0x57: {  	v9 =	vmul.f32 v9, v5;
	v16 =	vsub.f32 v0, v1;
	v7 =	vadd.f32 v14, v7;
	_ =	sdelay $0x1  }
0x58: {  	v41 =	vmul.f32 v16, v40;
	v7 =	vadd.f32 v9, v7;
	_ =	sdelay $0x1  }
0x59: {  	v42 =	vadd.f32 v15, v13;
	v43 =	vmul.f32 v10, v10;
	v7 =	vadd.f32 v41, v7;
	_ =	sdelay $0x1  }
0x5a: {  	[tilespmem:s24+$0x0] =	vst v7;
	v7 =	vadd.f32 v43, v42  }
0x5b: {  	v44 =	vld [tilespmem:s26+$0x10620]  }
0x5c: {  	v8 =	vmul.f32 v8, v8;
	v46 =	vld [tilespmem:s26+$0x10610];
	v7 =	vadd.f32 v11, v7  }
0x5d: {  	v47 =	vld [tilespmem:s26+$0x10600]  }
0x5e: {  	v6 =	vmul.f32 v6, v6;
	v7 =	vadd.f32 v8, v7;
	v8 =	vld [tilespmem:s26+$0x8600]  }
0x5f: {  	v48 =	vld [tilespmem:s26+$0x600]  }
0x60: {  	v4 =	vmul.f32 v4, v4;
	v6 =	vadd.f32 v6, v7;
	v7 =	vld [tilespmem:s26+$0x8610]  }
0x61: {  	v45 =	vld [tilespmem:s26+$0x8620]  }
0x62: {  	v5 =	vmul.f32 v5, v5;
	v4 =	vadd.f32 v4, v6;
	v6 =	vld [tilespmem:s26+$0x610]  }
0x63: {  	v49 =	vld [tilespmem:s26+$0x620];
	v17 =	vsub.f32 v8, v47  }
0x64: {  	v2 =	vmul.f32 v2, v2;
	v50 =	vld [tilespmem:s26+$0x8630];
	v4 =	vadd.f32 v5, v4  }
0x65: {  	v5 =	vld [tilespmem:s26+$0x10630];
	v18 =	vsub.f32 v7, v46;
	v17 =	vmul.f32 v17, v48  }
0x66: {  	v3 =	vmul.f32 v3, v3;
	v2 =	vadd.f32 v2, v4  }
0x67: {  	v4 =	vld [tilespmem:s26+$0x630];
	v18 =	vmul.f32 v18, v6;
	v17 =	vadd.f32 $0.0e+00, v17  }
0x68: {  	v19 =	vsub.f32 v45, v44;
	v2 =	vadd.f32 v3, v2;
	v3 =	vmul.f32 v40, v40  }
0x69: {  	v0 =	vmul.f32 v0, v0;
	v17 =	vadd.f32 v18, v17  }
0x6a: {  	v51 =	vmul.f32 v19, v49;
	v52 =	vsub.f32 v50, v5;
	v2 =	vadd.f32 v3, v2  }
0x6b: {  	v1 =	vmul.f32 v1, v1  }
0x6c: {  	v3 =	vadd.f32 v51, v17;
	v53 =	vmul.f32 v52, v4;
	v0 =	vadd.f32 v0, v2;
	_ =	sdelay $0x1  }
0x6d: {  	v2 =	vadd.f32 v53, v3;
	v3 =	vmul.f32 v48, v48;
	v0 =	vadd.f32 v1, v0  }
0x6e: {  	s20 =	sadd.s32 $0x10, s20  }
0x6f: {  	v1 =	vmul.f32 v8, v8;
	[tilespmem:s20+$0x0] =	vst v2;
	v0 =	vadd.f32 v3, v0  }
0x70: {  	_ =	swait.ge [sflag:s18], $0x4000  }
0x71: {  	v2 =	vmul.f32 v47, v47;
	[sflag:s18] =	ssyncset.done $0x0;
	v0 =	vadd.f32 v1, v0  }
0x72: {  	[sflag:s18] =	ssyncadd.s32 $0xFFFFC000  }
0x73: {  	v1 =	vmul.f32 v6, v6;
	_ =	swait.ge [sflag:s18], $0x4000;
	v0 =	vadd.f32 v2, v0  }
0x74: {  	[sflag:s18] =	ssyncset.done $0x0  }
0x75: {  	[sflag:s18] =	ssyncadd.s32 $0xFFFFC000;
	v0 =	vadd.f32 v1, v0;
	v1 =	vmul.f32 v7, v7  }
0x76: {  	_ =	swait.ge [sflag:s18], $0x4000  }
0x77: {  	[sflag:s18] =	ssyncset.done $0x0;
	v0 =	vadd.f32 v1, v0;
	v1 =	vmul.f32 v46, v46  }
0x78: {  	s25 =	simm.s32 $0x100;
	[sflag:s18] =	ssyncadd.s32 $0xFFFFC000  }
0x79: {  	[tilespmem:s15], [sflag:$0x1] =	stream.indirect.gather [hbm4b:s3+s14], $0x80, s25, s14, $0xb8;
	v0 =	vadd.f32 v1, v0;
	v1 =	vmul.f32 v49, v49;
	[tilespmem:$0x1A680] =	vst v63  }
0x7a: {  	s26 =	simm.s32 $0x300  }
0x7b: {  	[tilespmem:s16], [sflag:$0x1] =	stream.indirect.gather [hbm4b:s4+s14], $0x80, s26, s14, $0xb8;
	v0 =	vadd.f32 v1, v0;
	v1 =	vmul.f32 v45, v45;
	[tilespmem:$0x1A680] =	vst v63  }
0x7c: {  	s28 =	simm.s32 $0x500;
	s29 =	simm.s32 $0x0  }
0x7d: {  	[tilespmem:s17], [sflag:$0x1] =	stream.indirect.gather [hbm4b:s4+s14], $0x80, s28, s14, $0xb8;
	v0 =	vadd.f32 v1, v0;
	v1 =	vmul.f32 v44, v44;
	[tilespmem:$0x1A680] =	vst v63  }
0x7e: {  	v6 =	vld [tilespmem:s29+$0x4610]  }
0x7f: {  	v3 =	vld [tilespmem:s29+$0x4600];
	v0 =	vadd.f32 v1, v0;
	v1 =	vmul.f32 v4, v4  }
0x80: {  	v2 =	vld [tilespmem:s29+$0xC600]  }
0x81: {  	v4 =	vld [tilespmem:s29+$0x14600];
	v0 =	vadd.f32 v1, v0;
	v1 =	vmul.f32 v50, v50  }
0x82: {  	v7 =	vld [tilespmem:s29+$0x14610]  }
0x83: {  	v5 =	vmul.f32 v5, v5;
	v8 =	vld [tilespmem:s29+$0xC610];
	v0 =	vadd.f32 v1, v0  }
0x84: {  	v54 =	vld [tilespmem:s29+$0xC620]  }
0x85: {  	v55 =	vmul.f32 v3, v3;
	v1 =	vld [tilespmem:s29+$0x14620];
	v5 =	vadd.f32 v5, v0  }
0x86: {  	v58 =	vmul.f32 v2, v2;
	v57 =	vsub.f32 v2, v4;
	v2 =	vld [tilespmem:s29+$0xC630]  }
0x87: {  	v0 =	vld [tilespmem:s29+$0x14630];
	v5 =	vadd.f32 v55, v5  }
0x88: {  	v56 =	vld [tilespmem:s29+$0x4620];
	v59 =	vsub.f32 v8, v7;
	v12 =	vmul.f32 v57, v3  }
0x89: {  	v4 =	vmul.f32 v4, v4;
	v5 =	vadd.f32 v58, v5  }
0x8a: {  	v60 =	vmul.f32 v59, v6;
	v3 =	vld [tilespmem:s29+$0x4630];
	v12 =	vadd.f32 $0.0e+00, v12  }
0x8b: {  	v61 =	vsub.f32 v54, v1;
	v4 =	vadd.f32 v4, v5;
	v5 =	vmul.f32 v6, v6  }
0x8c: {  	v10 =	vadd.f32 v60, v12;
	v62 =	vsub.f32 v2, v0  }
0x8d: {  	v6 =	vmul.f32 v61, v56;
	v4 =	vadd.f32 v5, v4;
	v5 =	vmul.f32 v8, v8  }
0x8e: {  	v8 =	vmul.f32 v7, v7  }
0x8f: {  	v6 =	vadd.f32 v6, v10;
	v7 =	vmul.f32 v62, v3;
	v63 =	vadd.f32 v5, v4  }
0x90: {  	s20 =	simm.s32 $0x0;
	v4 =	vmul.f32 v56, v56  }
0x91: {  	s22 =	simm.s32 $0x80;
	s24 =	simm.s32 $0x400;
	s25 =	sand.u32 $0x7F0, s20;
	v5 =	vmul.f32 v54, v54;
	v7 =	vadd.f32 v7, v6;
	v6 =	vadd.f32 v8, v63  }
.LBB2_4:
0x92: {  	p0 =	sne.s32 s24, $0xFE00  }
0x93: {  	[tilespmem:s25+$0x18E00] =	vst v7;
	s20 =	sadd.s32 $0x10, s20;
	s25 =	smov.u32 s24;
	s24 =	sadd.s32 $0x200, s24  }
0x94: {  	v7 =	vld [tilespmem:s22+$0x4620];
	v4 =	vadd.f32 v4, v6  }
0x95: {  	v6 =	vld [tilespmem:s22+$0x4610]  }
0x96: {  	v1 =	vmul.f32 v1, v1;
	v8 =	vld [tilespmem:s22+$0x14610];
	v4 =	vadd.f32 v5, v4  }
0x97: {  	v5 =	vld [tilespmem:s22+$0x4600]  }
0x98: {  	v3 =	vmul.f32 v3, v3;
	v9 =	vld [tilespmem:s22+$0xC610];
	v1 =	vadd.f32 v1, v4  }
0x99: {  	v10 =	vld [tilespmem:s22+$0x14600]  }
0x9a: {  	v2 =	vmul.f32 v2, v2;
	v11 =	vld [tilespmem:s22+$0xC600];
	v3 =	vadd.f32 v3, v1  }
0x9b: {  	v1 =	vld [tilespmem:s22+$0x14620]  }
0x9c: {  	v0 =	vmul.f32 v0, v0;
	v12 =	vld [tilespmem:s22+$0xC620];
	v2 =	vadd.f32 v2, v3  }
0x9d: {  	v3 =	vsub.f32 v9, v8;
	v8 =	vmul.f32 v8, v8  }
0x9e: {  	v13 =	vmul.f32 v5, v5;
	v2 =	vadd.f32 v0, v2  }
0x9f: {  	v4 =	vmul.f32 v7, v7;
	v14 =	vsub.f32 v11, v10;
	v15 =	vmul.f32 v3, v6;
	v0 =	vld [tilespmem:s22+$0x14630]  }
0xa0: {  	v11 =	vmul.f32 v11, v11;
	v3 =	vadd.f32 v13, v2;
	v2 =	vld [tilespmem:s22+$0xC630]  }
0xa1: {  	v13 =	vmul.f32 v14, v5;
	v14 =	vsub.f32 v12, v1;
	v5 =	vmul.f32 v12, v12  }
0xa2: {  	v10 =	vmul.f32 v10, v10;
	v11 =	vadd.f32 v11, v3;
	v3 =	vld [tilespmem:s22+$0x4630]  }
0xa3: {  	v12 =	vadd.f32 $0.0e+00, v13;
	v7 =	vmul.f32 v14, v7  }
0xa4: {  	v6 =	vmul.f32 v6, v6;
	v10 =	vadd.f32 v10, v11  }
0xa5: {  	s22 =	sshra.s32 s25, $0x2;
	v11 =	vadd.f32 v15, v12;
	v12 =	vsub.f32 v2, v0  }
.Ltmp1:
0xa6: {  	v9 =	vmul.f32 v9, v9;
	v6 =	vadd.f32 v6, v10;
	(pc) =	sbr.rel @p0 .LBB2_4-.Ltmp1, $4  }
0xa7: {  	v7 =	vadd.f32 v7, v11;
	v10 =	vmul.f32 v12, v3  }
0xa8: {  	v6 =	vadd.f32 v9, v6  }
0xa9: {  	v7 =	vadd.f32 v10, v7  }
0xaa: {  	s25 =	sand.u32 $0x7F0, s20;
	v6 =	vadd.f32 v8, v6  }
0xab: {  	[tilespmem:s25+$0x18E00] =	vst v7  }
0xac: {  	v7 =	vld [tilespmem:s22+$0x4620]  }
0xad: {  	v8 =	vld [tilespmem:s22+$0x4610]  }
0xae: {  	v9 =	vld [tilespmem:s22+$0x14610]  }
0xaf: {  	v10 =	vld [tilespmem:s22+$0x14600]  }
0xb0: {  	v11 =	vld [tilespmem:s22+$0xC600]  }
0xb1: {  	v12 =	vld [tilespmem:s22+$0x4600]  }
0xb2: {  	v13 =	vld [tilespmem:s22+$0xC610];
	v4 =	vadd.f32 v4, v6  }
0xb3: {  	v14 =	vld [tilespmem:s22+$0x14620]  }
0xb4: {  	v1 =	vmul.f32 v1, v1;
	v6 =	vld [tilespmem:s22+$0xC620];
	v4 =	vadd.f32 v5, v4  }
0xb5: {  	v16 =	vld [tilespmem:s22+$0x14630];
	v15 =	vsub.f32 v11, v10  }
0xb6: {  	v3 =	vmul.f32 v3, v3;
	v5 =	vld [tilespmem:s22+$0xC630];
	v1 =	vadd.f32 v1, v4  }
0xb7: {  	v17 =	vsub.f32 v13, v9;
	v15 =	vmul.f32 v15, v12  }
0xb8: {  	v2 =	vmul.f32 v2, v2;
	v4 =	vld [tilespmem:s22+$0x4630];
	v1 =	vadd.f32 v3, v1  }
0xb9: {  	v18 =	vsub.f32 v6, v14;
	v17 =	vmul.f32 v17, v8;
	v15 =	vadd.f32 $0.0e+00, v15  }
0xba: {  	v0 =	vmul.f32 v0, v0;
	v1 =	vadd.f32 v2, v1  }
0xbb: {  	v3 =	vmul.f32 v18, v7;
	v55 =	vsub.f32 v5, v16;
	v15 =	vadd.f32 v17, v15  }
0xbc: {  	v0 =	vadd.f32 v0, v1  }
0xbd: {  	v1 =	vmul.f32 v12, v12;
	v2 =	vadd.f32 v3, v15;
	v3 =	vmul.f32 v55, v4;
	_ =	sdelay $0x1  }
0xbe: {  	s20 =	sadd.s32 $0x10, s20;
	v0 =	vadd.f32 v1, v0;
	v1 =	vmul.f32 v11, v11;
	v2 =	vadd.f32 v3, v2  }
0xbf: {  	s20 =	sand.u32 $0x7F0, s20  }
0xc0: {  	v0 =	vadd.f32 v1, v0;
	v1 =	vmul.f32 v10, v10;
	[tilespmem:s20+$0x18E00] =	vst v2  }
0xc1: {  	_ =	swait.ge [sflag:s18], $0x4000  }
0xc2: {  	v0 =	vadd.f32 v1, v0;
	v1 =	vmul.f32 v8, v8;
	[sflag:s18] =	ssyncset.done $0x0  }
0xc3: {  	[sflag:s18] =	ssyncadd.s32 $0xFFFFC000  }
0xc4: {  	v0 =	vadd.f32 v1, v0;
	v1 =	vmul.f32 v13, v13;
	_ =	swait.ge [sflag:s18], $0x4000  }
0xc5: {  	[sflag:s18] =	ssyncset.done $0x0  }
0xc6: {  	v2 =	vmul.f32 v9, v9;
	v0 =	vadd.f32 v1, v0;
	[sflag:s18] =	ssyncadd.s32 $0xFFFFC000  }
0xc7: {  	_ =	swait.ge [sflag:s18], $0x4000  }
0xc8: {  	v1 =	vmul.f32 v7, v7;
	v0 =	vadd.f32 v2, v0;
	[sflag:s18] =	ssyncset.done $0x0  }
0xc9: {  	s24 =	simm.s32 $0x180;
	[sflag:s18] =	ssyncadd.s32 $0xFFFFC000  }
0xca: {  	v2 =	vmul.f32 v6, v6;
	v0 =	vadd.f32 v1, v0;
	[tilespmem:s19], [sflag:$0x1] =	stream.indirect.gather [hbm4b:s3+s14], $0x80, s24, s14, $0xb8;
	[tilespmem:$0x1A680] =	vst v63  }
0xcb: {  	s25 =	simm.s32 $0x380  }
0xcc: {  	v1 =	vmul.f32 v14, v14;
	v0 =	vadd.f32 v2, v0;
	[tilespmem:s21], [sflag:$0x1] =	stream.indirect.gather [hbm4b:s4+s14], $0x80, s25, s14, $0xb8;
	[tilespmem:$0x1A680] =	vst v63  }
0xcd: {  	s26 =	simm.s32 $0x620  }
0xce: {  	v0 =	vadd.f32 v1, v0;
	v1 =	vmul.f32 v4, v4;
	[tilespmem:s23], [sflag:$0x1] =	stream.indirect.gather [hbm4b:s4+s14], $0x80, s30, s14, $0xb8;
	[tilespmem:$0x1A680] =	vst v63  }
0xcf: {  	v2 =	vld [tilespmem:s26+$0xFFFFFFE0]  }
0xd0: {  	s28 =	simm.s32 $0x8620;
	v0 =	vadd.f32 v1, v0;
	v1 =	vmul.f32 v5, v5  }
0xd1: {  	s24 =	simm.s32 $0x10620;
	v3 =	vld [tilespmem:s28+$0xFFFFFFE0]  }
0xd2: {  	v0 =	vadd.f32 v1, v0;
	v1 =	vmul.f32 v16, v16;
	v4 =	vld [tilespmem:s24+$0xFFFFFFE0]  }
0xd3: {  	v5 =	vld [tilespmem:s26+$0xFFFFFFF0]  }
0xd4: {  	v6 =	vld [tilespmem:s24+$0x10];
	v0 =	vadd.f32 v1, v0;
	v1 =	vmul.f32 v2, v2  }
0xd5: {  	v56 =	vld [tilespmem:s24+$0xFFFFFFF0]  }
0xd6: {  	v7 =	vmul.f32 v3, v3;
	v0 =	vadd.f32 v1, v0;
	v1 =	vld [tilespmem:s28+$0xFFFFFFF0]  }
0xd7: {  	v58 =	vld [tilespmem:s28+$0x0]  }
0xd8: {  	v57 =	vmul.f32 v4, v4;
	v0 =	vadd.f32 v7, v0;
	v7 =	vld [tilespmem:s24+$0x0]  }
0xd9: {  	v60 =	vld [tilespmem:s28+$0x10];
	v3 =	vsub.f32 v3, v4  }
0xda: {  	v59 =	vmul.f32 v5, v5;
	v4 =	vld [tilespmem:s26+$0x0];
	v0 =	vadd.f32 v57, v0  }
0xdb: {  	v2 =	vmul.f32 v3, v2;
	v61 =	vmul.f32 v1, v1;
	v1 =	vsub.f32 v1, v56  }
0xdc: {  	v3 =	vld [tilespmem:s26+$0x10];
	v0 =	vadd.f32 v59, v0  }
0xdd: {  	v2 =	vadd.f32 $0.0e+00, v2;
	v1 =	vmul.f32 v1, v5;
	v5 =	vsub.f32 v58, v7  }
0xde: {  	v8 =	vmul.f32 v56, v56;
	v0 =	vadd.f32 v61, v0  }
0xdf: {  	v63 =	vsub.f32 v60, v6;
	v1 =	vadd.f32 v1, v2;
	v2 =	vmul.f32 v5, v4  }
0xe0: {  	v62 =	vmul.f32 v4, v4;
	v0 =	vadd.f32 v8, v0  }
0xe1: {  	v1 =	vadd.f32 v2, v1;
	v2 =	vmul.f32 v63, v3  }
0xe2: {  	v4 =	vmul.f32 v58, v58;
	v0 =	vadd.f32 v62, v0  }
0xe3: {  	s29 =	simm.s32 $0x0;
	v1 =	vadd.f32 v2, v1  }
0xe4: {  	s20 =	sand.u32 $0x7F0, s29;
	v5 =	vmul.f32 v7, v7;
	v0 =	vadd.f32 v4, v0  }
0xe5: {  	s22 =	simm.s32 $0x6A0;
	[tilespmem:s20+$0x19600] =	vst v1  }
0xe6: {  	v2 =	vmul.f32 v3, v3;
	v3 =	vadd.f32 v5, v0;
	v0 =	vld [tilespmem:s22+$0xFFFFFFE0]  }
0xe7: {  	s24 =	simm.s32 $0x86A0  }
0xe8: {  	v4 =	vmul.f32 v60, v60;
	v1 =	vld [tilespmem:s24+$0xFFFFFFE0];
	v5 =	vadd.f32 v2, v3  }
0xe9: {  	s25 =	simm.s32 $0x106A0  }
0xea: {  	s26 =	simm.s32 $0x20;
	s20 =	simm.s32 $0x10;
	v3 =	vmul.f32 v6, v6;
	v2 =	vld [tilespmem:s25+$0xFFFFFFE0];
	v4 =	vadd.f32 v4, v5  }
.LBB2_6:
0xeb: {  	p0 =	sne.s32 s26, $0x7F0;
	v5 =	vmul.f32 v0, v0;
	v6 =	vld [tilespmem:s25+$0x10];
	s28 =	smov.u32 s26;
	s26 =	sadd.s32 $0x10, s26  }
0xec: {  	v7 =	vld [tilespmem:s22+$0xFFFFFFF0];
	v3 =	vadd.f32 v3, v4  }
0xed: {  	v4 =	vmul.f32 v1, v1;
	v8 =	vld [tilespmem:s25+$0xFFFFFFF0]  }
0xee: {  	v3 =	vadd.f32 v5, v3;
	v5 =	vld [tilespmem:s24+$0xFFFFFFF0]  }
0xef: {  	v1 =	vsub.f32 v1, v2;
	v2 =	vmul.f32 v2, v2;
	v9 =	vld [tilespmem:s25+$0x0]  }
0xf0: {  	v3 =	vadd.f32 v4, v3;
	v4 =	vld [tilespmem:s24+$0x0]  }
0xf1: {  	v10 =	vmul.f32 v7, v7;
	v11 =	vld [tilespmem:s24+$0x10]  }
0xf2: {  	v2 =	vadd.f32 v2, v3;
	v3 =	vld [tilespmem:s22+$0x0]  }
0xf3: {  	v0 =	vmul.f32 v1, v0;
	v1 =	vsub.f32 v5, v8  }
0xf4: {  	v5 =	vmul.f32 v5, v5;
	v2 =	vadd.f32 v10, v2;
	v10 =	vld [tilespmem:s22+$0x10]  }
0xf5: {  	v0 =	vadd.f32 $0.0e+00, v0;
	v1 =	vmul.f32 v1, v7;
	v7 =	vsub.f32 v4, v9  }
0xf6: {  	v2 =	vadd.f32 v5, v2;
	v5 =	vmul.f32 v8, v8;
	v8 =	vsub.f32 v11, v6  }
0xf7: {  	v0 =	vadd.f32 v1, v0;
	v1 =	vmul.f32 v7, v3;
	v3 =	vmul.f32 v3, v3  }
0xf8: {  	v2 =	vadd.f32 v5, v2  }
0xf9: {  	v0 =	vadd.f32 v1, v0;
	v1 =	vmul.f32 v4, v4;
	v4 =	vmul.f32 v8, v10  }
0xfa: {  	v2 =	vadd.f32 v3, v2  }
0xfb: {  	v3 =	vmul.f32 v9, v9;
	v0 =	vadd.f32 v4, v0  }
0xfc: {  	s29 =	sand.u32 $0x7F0, s20;
	s20 =	smov.u32 s28;
	v1 =	vadd.f32 v1, v2  }
0xfd: {  	s22 =	sadd.s32 $0x80, s22;
	v2 =	vmul.f32 v10, v10;
	[tilespmem:s29+$0x19600] =	vst v0  }
.Ltmp2:
0xfe: {  	v0 =	vld [tilespmem:s22+$0xFFFFFFE0];
	v3 =	vadd.f32 v3, v1;
	(pc) =	sbr.rel @p0 .LBB2_6-.Ltmp2, $4  }
0xff: {  	s24 =	sadd.s32 $0x80, s24;
	v4 =	vmul.f32 v11, v11  }
0x100: {  	v1 =	vld [tilespmem:s24+$0xFFFFFFE0];
	v5 =	vadd.f32 v2, v3  }
0x101: {  	s25 =	sadd.s32 $0x80, s25;
	v3 =	vmul.f32 v6, v6  }
0x102: {  	v2 =	vld [tilespmem:s25+$0xFFFFFFE0];
	v4 =	vadd.f32 v4, v5  }
0x103: {  	v5 =	vld [tilespmem:s25+$0x10]  }
0x104: {  	v6 =	vld [tilespmem:s22+$0xFFFFFFF0]  }
0x105: {  	v7 =	vld [tilespmem:s25+$0xFFFFFFF0]  }
0x106: {  	v8 =	vld [tilespmem:s24+$0xFFFFFFF0]  }
0x107: {  	v9 =	vld [tilespmem:s25+$0x0]  }
0x108: {  	v10 =	vld [tilespmem:s24+$0x0]  }
0x109: {  	v12 =	vld [tilespmem:s24+$0x10];
	v11 =	vsub.f32 v1, v2  }
0x10a: {  	v13 =	vld [tilespmem:s22+$0x0]  }
0x10b: {  	v14 =	vsub.f32 v8, v7;
	v11 =	vmul.f32 v11, v0  }
0x10c: {  	v15 =	vld [tilespmem:s22+$0x10]  }
0x10d: {  	v16 =	vsub.f32 v10, v9;
	v14 =	vmul.f32 v14, v6;
	v11 =	vadd.f32 $0.0e+00, v11  }
0x10e: {  	v3 =	vadd.f32 v3, v4;
	v0 =	vmul.f32 v0, v0  }
0x10f: {  	v52 =	vsub.f32 v12, v5;
	v53 =	vmul.f32 v16, v13;
	v4 =	vadd.f32 v14, v11  }
0x110: {  	v1 =	vmul.f32 v1, v1;
	v0 =	vadd.f32 v0, v3  }
0x111: {  	v3 =	vadd.f32 v53, v4;
	v4 =	vmul.f32 v52, v15  }
0x112: {  	v2 =	vmul.f32 v2, v2;
	v0 =	vadd.f32 v1, v0  }
0x113: {  	v1 =	vadd.f32 v4, v3  }
0x114: {  	s20 =	sand.u32 $0x7F0, s20;
	v0 =	vadd.f32 v2, v0;
	v3 =	vmul.f32 v6, v6  }
0x115: {  	[tilespmem:s20+$0x19600] =	vst v1  }
0x116: {  	v0 =	vadd.f32 v3, v0;
	v1 =	vmul.f32 v8, v8;
	_ =	swait.ge [sflag:s18], $0x4000  }
0x117: {  	[sflag:s18] =	ssyncset.done $0x0  }
0x118: {  	v0 =	vadd.f32 v1, v0;
	v1 =	vmul.f32 v7, v7;
	[sflag:s18] =	ssyncadd.s32 $0xFFFFC000  }
0x119: {  	_ =	swait.ge [sflag:s18], $0x4000  }
0x11a: {  	v2 =	vmul.f32 v13, v13;
	v0 =	vadd.f32 v1, v0;
	[sflag:s18] =	ssyncset.done $0x0  }
0x11b: {  	[sflag:s18] =	ssyncadd.s32 $0xFFFFC000  }
0x11c: {  	v1 =	vmul.f32 v10, v10;
	v0 =	vadd.f32 v2, v0;
	_ =	swait.ge [sflag:s18], $0x4000  }
0x11d: {  	[sflag:s18] =	ssyncset.done $0x0  }
0x11e: {  	s29 =	simm.s32 $0x0;
	v2 =	vmul.f32 v9, v9;
	v0 =	vadd.f32 v1, v0;
	[sflag:s18] =	ssyncadd.s32 $0xFFFFC000  }
0x11f: {  	v4 =	vld [tilespmem:s29+$0x4610]  }
0x120: {  	v1 =	vmul.f32 v15, v15;
	v0 =	vadd.f32 v2, v0;
	v3 =	vld [tilespmem:s29+$0x4600]  }
0x121: {  	v6 =	vld [tilespmem:s29+$0x14600]  }
0x122: {  	v2 =	vmul.f32 v12, v12;
	v7 =	vld [tilespmem:s29+$0xC600];
	v0 =	vadd.f32 v1, v0  }
0x123: {  	v8 =	vld [tilespmem:s29+$0x14610]  }
0x124: {  	v5 =	vmul.f32 v5, v5;
	v54 =	vld [tilespmem:s29+$0xC610];
	v0 =	vadd.f32 v2, v0  }
0x125: {  	v1 =	vld [tilespmem:s29+$0x14620]  }
0x126: {  	v55 =	vmul.f32 v3, v3;
	v2 =	vadd.f32 v5, v0;
	v5 =	vld [tilespmem:s29+$0xC620]  }
0x127: {  	v56 =	vld [tilespmem:s29+$0x4620];
	v57 =	vsub.f32 v7, v6  }
0x128: {  	v7 =	vmul.f32 v7, v7;
	v0 =	vld [tilespmem:s29+$0x14630];
	v10 =	vadd.f32 v55, v2  }
0x129: {  	v58 =	vsub.f32 v54, v8;
	v12 =	vmul.f32 v57, v3;
	v2 =	vld [tilespmem:s29+$0xC630]  }
0x12a: {  	v6 =	vmul.f32 v6, v6;
	v7 =	vadd.f32 v7, v10  }
0x12b: {  	v59 =	vmul.f32 v58, v4;
	v3 =	vld [tilespmem:s29+$0x4630];
	v12 =	vadd.f32 $0.0e+00, v12;
	v60 =	vsub.f32 v5, v1  }
0x12c: {  	v4 =	vmul.f32 v4, v4;
	v6 =	vadd.f32 v6, v7  }
0x12d: {  	v10 =	vadd.f32 v59, v12;
	v7 =	vmul.f32 v60, v56  }
0x12e: {  	v61 =	vsub.f32 v2, v0;
	v4 =	vadd.f32 v4, v6;
	v6 =	vmul.f32 v54, v54  }
0x12f: {  	v8 =	vmul.f32 v8, v8  }
0x130: {  	v7 =	vadd.f32 v7, v10;
	v62 =	vmul.f32 v61, v3;
	v63 =	vadd.f32 v6, v4  }
0x131: {  	s20 =	simm.s32 $0x0;
	v5 =	vmul.f32 v5, v5  }
0x132: {  	s24 =	simm.s32 $0x400;
	s22 =	simm.s32 $0x80;
	s25 =	sand.u32 $0x7F0, s20;
	v4 =	vmul.f32 v56, v56;
	v6 =	vadd.f32 v62, v7;
	v7 =	vadd.f32 v8, v63  }
.LBB2_8:
0x133: {  	p0 =	sne.s32 s24, $0xFE00  }
0x134: {  	[tilespmem:s25+$0x19E00] =	vst v6;
	s20 =	sadd.s32 $0x10, s20;
	s25 =	smov.u32 s24;
	s24 =	sadd.s32 $0x200, s24  }
0x135: {  	v6 =	vld [tilespmem:s22+$0x4620];
	v4 =	vadd.f32 v4, v7  }
0x136: {  	v7 =	vld [tilespmem:s22+$0x4610]  }
0x137: {  	v1 =	vmul.f32 v1, v1;
	v8 =	vld [tilespmem:s22+$0x14610];
	v4 =	vadd.f32 v5, v4  }
0x138: {  	v5 =	vld [tilespmem:s22+$0x4600]  }
0x139: {  	v3 =	vmul.f32 v3, v3;
	v9 =	vld [tilespmem:s22+$0xC610];
	v1 =	vadd.f32 v1, v4  }
0x13a: {  	v10 =	vld [tilespmem:s22+$0x14600]  }
0x13b: {  	v2 =	vmul.f32 v2, v2;
	v11 =	vld [tilespmem:s22+$0xC600];
	v3 =	vadd.f32 v3, v1  }
0x13c: {  	v1 =	vld [tilespmem:s22+$0x14620]  }
0x13d: {  	v0 =	vmul.f32 v0, v0;
	v12 =	vld [tilespmem:s22+$0xC620];
	v2 =	vadd.f32 v2, v3  }
0x13e: {  	v3 =	vsub.f32 v9, v8;
	v8 =	vmul.f32 v8, v8  }
0x13f: {  	v13 =	vmul.f32 v5, v5;
	v2 =	vadd.f32 v0, v2  }
0x140: {  	v4 =	vmul.f32 v6, v6;
	v14 =	vsub.f32 v11, v10;
	v15 =	vmul.f32 v3, v7;
	v0 =	vld [tilespmem:s22+$0x14630]  }
0x141: {  	v11 =	vmul.f32 v11, v11;
	v3 =	vadd.f32 v13, v2;
	v2 =	vld [tilespmem:s22+$0xC630]  }
0x142: {  	v13 =	vmul.f32 v14, v5;
	v14 =	vsub.f32 v12, v1;
	v5 =	vmul.f32 v12, v12  }
0x143: {  	v10 =	vmul.f32 v10, v10;
	v11 =	vadd.f32 v11, v3;
	v3 =	vld [tilespmem:s22+$0x4630]  }
0x144: {  	v12 =	vadd.f32 $0.0e+00, v13;
	v6 =	vmul.f32 v14, v6  }
0x145: {  	v7 =	vmul.f32 v7, v7;
	v10 =	vadd.f32 v10, v11  }
0x146: {  	s22 =	sshra.s32 s25, $0x2;
	v11 =	vadd.f32 v15, v12;
	v12 =	vsub.f32 v2, v0  }
.Ltmp3:
0x147: {  	v9 =	vmul.f32 v9, v9;
	v7 =	vadd.f32 v7, v10;
	(pc) =	sbr.rel @p0 .LBB2_8-.Ltmp3, $4  }
0x148: {  	v6 =	vadd.f32 v6, v11;
	v10 =	vmul.f32 v12, v3  }
0x149: {  	v7 =	vadd.f32 v9, v7  }
0x14a: {  	v6 =	vadd.f32 v10, v6  }
0x14b: {  	s25 =	sand.u32 $0x7F0, s20;
	v7 =	vadd.f32 v8, v7  }
0x14c: {  	_ = 	snop  }
0x14d: {  	v4 =	vadd.f32 v4, v7;
	_ =	sdelay $0x1  }
0x14e: {  	v1 =	vmul.f32 v1, v1;
	v4 =	vadd.f32 v5, v4;
	_ =	sdelay $0x1  }
0x14f: {  	[tilespmem:s25+$0x19E00] =	vst v6;
	v3 =	vmul.f32 v3, v3;
	v1 =	vadd.f32 v1, v4  }
0x150: {  	v46 =	vld [tilespmem:s22+$0x4600]  }
0x151: {  	v2 =	vmul.f32 v2, v2;
	v1 =	vadd.f32 v3, v1  }
0x152: {  	v47 =	vld [tilespmem:s22+$0xC600]  }
0x153: {  	v0 =	vmul.f32 v0, v0;
	v1 =	vadd.f32 v2, v1  }
0x154: {  	v48 =	vld [tilespmem:s22+$0x14600]  }
0x155: {  	v49 =	vmul.f32 v46, v46;
	v0 =	vadd.f32 v0, v1  }
0x156: {  	v50 =	vld [tilespmem:s22+$0x4610]  }
0x157: {  	v51 =	vmul.f32 v47, v47;
	v0 =	vadd.f32 v49, v0  }
0x158: {  	v6 =	vld [tilespmem:s22+$0xC610]  }
0x159: {  	v52 =	vmul.f32 v48, v48;
	v0 =	vadd.f32 v51, v0  }
0x15a: {  	v53 =	vld [tilespmem:s22+$0x14610]  }
0x15b: {  	v54 =	vmul.f32 v50, v50;
	v0 =	vadd.f32 v52, v0  }
0x15c: {  	v8 =	vld [tilespmem:s22+$0x4620]  }
0x15d: {  	v55 =	vmul.f32 v6, v6;
	v0 =	vadd.f32 v54, v0  }
0x15e: {  	v9 =	vld [tilespmem:s22+$0xC620]  }
0x15f: {  	v10 =	vmul.f32 v53, v53;
	v0 =	vadd.f32 v55, v0  }
0x160: {  	v56 =	vld [tilespmem:s22+$0x14620]  }
0x161: {  	v12 =	vld [tilespmem:s22+$0x14630];
	v11 =	vmul.f32 v8, v8;
	v0 =	vadd.f32 v10, v0  }
0x162: {  	v57 =	vld [tilespmem:s22+$0x4630];
	v2 =	vsub.f32 v47, v48  }
0x163: {  	v58 =	vld [tilespmem:s22+$0xC630];
	v13 =	vmul.f32 v9, v9;
	v0 =	vadd.f32 v11, v0  }
0x164: {  	v6 =	vsub.f32 v6, v53;
	v2 =	vmul.f32 v2, v46  }
0x165: {  	v59 =	vmul.f32 v56, v56;
	v0 =	vadd.f32 v13, v0  }
0x166: {  	v5 =	vsub.f32 v9, v56;
	v1 =	vmul.f32 v6, v50;
	v2 =	vadd.f32 $0.0e+00, v2  }
0x167: {  	v60 =	vmul.f32 v57, v57;
	v0 =	vadd.f32 v59, v0  }
0x168: {  	v61 =	vsub.f32 v58, v12;
	v5 =	vmul.f32 v5, v8;
	v1 =	vadd.f32 v1, v2  }
0x169: {  	v62 =	vmul.f32 v58, v58;
	v0 =	vadd.f32 v60, v0  }
0x16a: {  	v2 =	vmul.f32 v61, v57;
	v1 =	vadd.f32 v5, v1  }
0x16b: {  	v63 =	vmul.f32 v12, v12;
	v0 =	vadd.f32 v62, v0  }
0x16c: {  	s20 =	sadd.s32 $0x10, s20;
	v1 =	vadd.f32 v2, v1  }
0x16d: {  	s20 =	sand.u32 $0x7F0, s20;
	v0 =	vadd.f32 v63, v0  }
0x16e: {  	[tilespmem:s20+$0x19E00] =	vst v1  }
0x16f: {  	[tilespmem:$0x1A600] =	vst v0  }
0x170: {  	[hbm4b:s8+s2] =	stream.linear.scatter [tilespmem:s31], [sflag:$0x2], $0x2000, $0x38;
	[tilespmem:$0x1A680] =	vst v63  }
0x171: {  	s1 =	sadd.s32 $0x1, s1;
	_ =	swait.ge [sflag:s11], $0x2000  }
0x172: {  	p0 =	sne.s32 s1, s10;
	[sflag:s11] =	ssyncset.done $0x0  }
.Ltmp4:
0x173: {  	[sflag:s11] =	ssyncadd.s32 $0xFFFFE000;
	(pc) =	sbr.rel @p0 .LBB2_1-.Ltmp4, $4  }
0x174: {  	[hbm4b:s9+s2] =	stream.linear.scatter [tilespmem:s0], [sflag:$0x2], $0x10, $0x38;
	[tilespmem:$0x1A680] =	vst v63  }
0x175: {  	_ =	swait.ge [sflag:s11], $0x10  }
0x176: {  	[sflag:s11] =	ssyncset.done $0x0  }
0x177: {  	[sflag:s11] =	ssyncadd.s32 $0xFFFFFFF0  }
0x178: {  	_ =	sfence.sel $0x180000  }
0x179: {  	[bflag:$0x0] =	sbarrier.arrive $0xFFFF  }
0x17a: {  	_ =	strace $0x90000047  }
0x17b: {  	s0 =	stileid.u32;
	[bflag:$0x2] =	sbarrier.arrive $0xFFFF  }
0x17c: {  	p0 =	sne.s32 s0, $0x0;
	s0 =	rddreg [dreg:$0x4]  }
0x17d: {  	s0 =	sadd.s32 @!p0 $0x100000, s0  }
0x17e: {  	[sflag:s0] =	ssyncadd.tile.s32 @!p0 $0x1;
	_ =	shalt  }
.Lfunc_end2:
_tile_overlayer_lowered:
.L_overlay_start_2:
0x17f: {  	(tag) =	ssettag $0x2  }
0x180: {  	s0 =	rddreg [dreg:$0x0];
	s2 =	stileid.u32  }
0x181: {  	s1 =	rddreg [dreg:$0x1];
	p0 =	sne.s32 s2, $0x0  }
0x182: {  	s3 =	rddreg [dreg:$0x2];
	[bflag:$0x3] =	sbarrier.arrive $0xFFFF;
	s2 =	simm.s32 @!p0 $0x1C02  }
0x183: {  	[timem:s3], [sflag:s2] =	dma.local @!p0 [hbm:s0], s1  }
0x184: {  	s0 =	simm.s32 @!p0 $0x2  }
0x185: {  	_ =	swait.ge @!p0 [sflag:s0], s1  }
0x186: {  	s1 =	ssub.s32 @!p0 $0x0, s1;
	[sflag:s0] =	ssyncset.done @!p0 $0x0  }
0x187: {  	[sflag:s0] =	ssyncadd.s32 @!p0 s1  }
0x188: {  	[bflag:$0x3] =	sbarrier.arrive $0xFFFF  }
0x189: {  	_ =	shalt  }

</sc_bundles>
